<compile_context>
chip_gen: v7x
topology: tpu7x:2x2x1
jax: 0.10.2.dev20260603
libtpu: 0.0.44.dev20260713+nightly
codegen_flags: <defaults>
</compile_context>

<pallas_src>
import functools

import jax
import jax.numpy as jnp
from jax import lax
from jax.experimental import pallas as pl
from jax.experimental.pallas import tpu as pltpu
from jax.experimental.pallas import tpu_sc as plsc

_NC = 2
_NS = 16
_NW = _NC * _NS
_B = 16384
_CHUNK = _B // _NW
_STEPS = _CHUNK // 16

_mesh = plsc.VectorSubcoreMesh(core_axis_name="c", subcore_axis_name="s")


@functools.partial(
    pl.kernel,
    out_type=jax.ShapeDtypeStruct((_B * 4,), jnp.float32),
    mesh=_mesh,
    compiler_params=pltpu.CompilerParams(needs_layout_passes=False),
    scratch_types=[
        pltpu.VMEM((_CHUNK,), jnp.int32),
        pltpu.VMEM((_CHUNK,), jnp.int32),
        pltpu.VMEM((3, 2), jnp.float32),
        pltpu.VMEM((3, 2), jnp.float32),
        pltpu.VMEM((_CHUNK * 4,), jnp.float32),
        pltpu.SemaphoreType.DMA,
    ],
)
def _encode(y_hbm, s_hbm, e1_hbm, e2_hbm, out_hbm, y_v, s_v, e1_v, e2_v, o_v,
            sem):
    wid = lax.axis_index("s") * _NC + lax.axis_index("c")
    base = wid * _CHUNK
    c1 = pltpu.async_copy(e1_hbm, e1_v, sem)
    c2 = pltpu.async_copy(e2_hbm, e2_v, sem)
    c3 = pltpu.async_copy(y_hbm.at[pl.ds(base, _CHUNK)], y_v, sem)
    c4 = pltpu.async_copy(s_hbm.at[pl.ds(base, _CHUNK)], s_v, sem)
    c1.wait()
    c2.wait()
    c3.wait()
    c4.wait()

    lanes = lax.iota(jnp.int32, 16)
    zero = lanes * 0
    one = zero + 1
    for j in range(_STEPS):
        y16 = y_v[pl.ds(j * 16, 16)]
        s16 = s_v[pl.ds(j * 16, 16)]
        a = plsc.load_gather(e1_v, [y16, zero])
        b = plsc.load_gather(e1_v, [y16, one])
        c = plsc.load_gather(e2_v, [s16, zero])
        d = plsc.load_gather(e2_v, [s16, one])
        p = (j * 16 + lanes) * 4
        plsc.store_scatter(o_v, [p], a)
        plsc.store_scatter(o_v, [p + 1], b)
        plsc.store_scatter(o_v, [p + 2], c)
        plsc.store_scatter(o_v, [p + 3], d)

    pltpu.sync_copy(o_v, out_hbm.at[pl.ds(base * 4, _CHUNK * 4)])


def kernel(y, s, emb1_w, emb2_w):
    return _encode(y, s, emb1_w, emb2_w).reshape(_B, 4)

# --- scband reference (transcript-rebuilt; emitter-appended) ---
"""Pipeline reference for scband-multi-label-encoder2d-987842478219 (READ-ONLY COPY).

The authoritative reference and input builder live on the scoring server;
editing this copy changes nothing except your own understanding.
"""

import jax, jax.numpy as jnp
import numpy as np

def setup_inputs(seed: int = 0) -> dict:
    key = jax.random.key(seed)
    k1, k2, k3, k4 = jax.random.split(key, 4)
    y = jax.random.randint(k1, (16384,), 0, 3, dtype=jnp.int64) if jax.config.jax_enable_x64 else jax.random.randint(k1, (16384,), 0, 3, dtype=jnp.int32)
    s = jax.random.randint(k2, (16384,), 0, 3, dtype=jnp.int32)
    y = y.astype(jnp.int32)
    emb1_w = jax.random.normal(k3, (3, 2), dtype=jnp.float32)
    emb2_w = jax.random.normal(k4, (3, 2), dtype=jnp.float32)
    return {"y": y, "s": s, "emb1_w": emb1_w, "emb2_w": emb2_w}

def reference(y, s, emb1_w, emb2_w):
    y1 = jnp.take(emb1_w, y, axis=0)
    y2 = jnp.take(emb2_w, s, axis=0)
    out = jnp.concatenate([y1, y2], axis=1)
    return out

if __name__ == "__main__":
    import jax
    _d = setup_inputs()
    print(jax.jit(kernel)(*tuple(_d.values())))

</pallas_src>

<mosaic_0001>
#map = affine_map<(d0, d1) -> (0)>
#map1 = affine_map<(d0, d1) -> (0, 0)>
module attributes {stable_mosaic.version = 14 : i64} {
  func.func @_encode(%arg0: i32, %arg1: i32, %arg2: memref<16384xi32, #tpu.memory_space<hbm>>, %arg3: memref<16384xi32, #tpu.memory_space<hbm>>, %arg4: memref<3x2xf32, #tpu.memory_space<hbm>>, %arg5: memref<3x2xf32, #tpu.memory_space<hbm>>, %arg6: memref<65536xf32, #tpu.memory_space<hbm>>, %arg7: memref<512xi32, #tpu.memory_space<vmem>>, %arg8: memref<512xi32, #tpu.memory_space<vmem>>, %arg9: memref<3x2xf32, #tpu.memory_space<vmem>>, %arg10: memref<3x2xf32, #tpu.memory_space<vmem>>, %arg11: memref<2048xf32, #tpu.memory_space<vmem>>, %arg12: memref<!tpu.dma_semaphore, #tpu.memory_space<semaphore_mem>>) attributes {dimension_semantics = [#tpu.dimension_semantics<core_parallel>, #tpu.dimension_semantics<subcore_parallel>], iteration_bounds = array<i64: 2, 16>, scalar_prefetch = 0 : i64, scratch_operands = 6 : i64, tpu.core_type = #tpu.core_type<sc_vector_subcore>, window_params = [{transform_indices = #map}, {transform_indices = #map}, {transform_indices = #map1}, {transform_indices = #map1}, {transform_indices = #map}]} {
    %mul3A = arith.constant 2 : i32
    %mul3A_0 = arith.muli %arg1, %mul3A : i32
    %add3A = arith.addi %mul3A_0, %arg0 : i32
    %mul3A_1 = arith.constant 512 : i32
    %mul3A_2 = arith.muli %add3A, %mul3A_1 : i32
    tpu.enqueue_dma source(%arg4 : memref<3x2xf32, #tpu.memory_space<hbm>>) target(%arg9 : memref<3x2xf32, #tpu.memory_space<vmem>>) target_semaphore(%arg12 : memref<!tpu.dma_semaphore, #tpu.memory_space<semaphore_mem>>)
    tpu.enqueue_dma source(%arg5 : memref<3x2xf32, #tpu.memory_space<hbm>>) target(%arg10 : memref<3x2xf32, #tpu.memory_space<vmem>>) target_semaphore(%arg12 : memref<!tpu.dma_semaphore, #tpu.memory_space<semaphore_mem>>)
    %dma_start3A = tpu.memref_slice %arg2[%mul3A_2] : memref<16384xi32, #tpu.memory_space<hbm>> -> memref<512xi32, #tpu.memory_space<hbm>>
    %dma_start3A_3 = tpu.memref_slice %arg2[%mul3A_2] : memref<16384xi32, #tpu.memory_space<hbm>> -> memref<512xi32, #tpu.memory_space<hbm>>
    tpu.enqueue_dma source(%dma_start3A_3 : memref<512xi32, #tpu.memory_space<hbm>>) target(%arg7 : memref<512xi32, #tpu.memory_space<vmem>>) target_semaphore(%arg12 : memref<!tpu.dma_semaphore, #tpu.memory_space<semaphore_mem>>)
    %dma_start3A_4 = tpu.memref_slice %arg3[%mul3A_2] : memref<16384xi32, #tpu.memory_space<hbm>> -> memref<512xi32, #tpu.memory_space<hbm>>
    %dma_start3A_5 = tpu.memref_slice %arg3[%mul3A_2] : memref<16384xi32, #tpu.memory_space<hbm>> -> memref<512xi32, #tpu.memory_space<hbm>>
    tpu.enqueue_dma source(%dma_start3A_5 : memref<512xi32, #tpu.memory_space<hbm>>) target(%arg8 : memref<512xi32, #tpu.memory_space<vmem>>) target_semaphore(%arg12 : memref<!tpu.dma_semaphore, #tpu.memory_space<semaphore_mem>>)
    tpu.wait_dma2 semaphore(%arg12 : memref<!tpu.dma_semaphore, #tpu.memory_space<semaphore_mem>>) src(%arg4 : memref<3x2xf32, #tpu.memory_space<hbm>>) dst(%arg9 : memref<3x2xf32, #tpu.memory_space<vmem>>)
    tpu.wait_dma2 semaphore(%arg12 : memref<!tpu.dma_semaphore, #tpu.memory_space<semaphore_mem>>) src(%arg5 : memref<3x2xf32, #tpu.memory_space<hbm>>) dst(%arg10 : memref<3x2xf32, #tpu.memory_space<vmem>>)
    %dma_wait3A = tpu.memref_slice %arg2[%mul3A_2] : memref<16384xi32, #tpu.memory_space<hbm>> -> memref<512xi32, #tpu.memory_space<hbm>>
    %dma_wait3A_6 = tpu.memref_slice %arg2[%mul3A_2] : memref<16384xi32, #tpu.memory_space<hbm>> -> memref<512xi32, #tpu.memory_space<hbm>>
    tpu.wait_dma2 semaphore(%arg12 : memref<!tpu.dma_semaphore, #tpu.memory_space<semaphore_mem>>) src(%dma_wait3A_6 : memref<512xi32, #tpu.memory_space<hbm>>) dst(%arg7 : memref<512xi32, #tpu.memory_space<vmem>>)
    %dma_wait3A_7 = tpu.memref_slice %arg3[%mul3A_2] : memref<16384xi32, #tpu.memory_space<hbm>> -> memref<512xi32, #tpu.memory_space<hbm>>
    %dma_wait3A_8 = tpu.memref_slice %arg3[%mul3A_2] : memref<16384xi32, #tpu.memory_space<hbm>> -> memref<512xi32, #tpu.memory_space<hbm>>
    tpu.wait_dma2 semaphore(%arg12 : memref<!tpu.dma_semaphore, #tpu.memory_space<semaphore_mem>>) src(%dma_wait3A_8 : memref<512xi32, #tpu.memory_space<hbm>>) dst(%arg8 : memref<512xi32, #tpu.memory_space<vmem>>)
    %iota3A = tpu.iota {dimensions = array<i32: 0>} : vector<16xi32>
    %mul3A_9 = arith.constant 0 : i32
    %mul3A_10 = vector.broadcast %mul3A_9 : i32 to vector<16xi32>
    %mul3A_11 = arith.muli %iota3A, %mul3A_10 : vector<16xi32>
    %add3A_12 = arith.constant 1 : i32
    %add3A_13 = vector.broadcast %add3A_12 : i32 to vector<16xi32>
    %add3A_14 = arith.addi %mul3A_11, %add3A_13 : vector<16xi32>
    %get3A = arith.constant 0 : index
    %get3A_15 = tpu.vector_load %arg7[%get3A] {strides = array<i32>} : memref<512xi32, #tpu.memory_space<vmem>>, vector<16xi32>,
    %get3A_16 = arith.constant 0 : index
    %get3A_17 = tpu.vector_load %arg8[%get3A_16] {strides = array<i32>} : memref<512xi32, #tpu.memory_space<vmem>>, vector<16xi32>,
    %gather3A = tpu.vector_load_idx %arg9[%get3A_15, %mul3A_11] : memref<3x2xf32, #tpu.memory_space<vmem>>[vector<16xi32>, vector<16xi32>], vector<16xf32>,
    %gather3A_18 = tpu.vector_load_idx %arg9[%get3A_15, %add3A_14] : memref<3x2xf32, #tpu.memory_space<vmem>>[vector<16xi32>, vector<16xi32>], vector<16xf32>,
    %gather3A_19 = tpu.vector_load_idx %arg10[%get3A_17, %mul3A_11] : memref<3x2xf32, #tpu.memory_space<vmem>>[vector<16xi32>, vector<16xi32>], vector<16xf32>,
    %gather3A_20 = tpu.vector_load_idx %arg10[%get3A_17, %add3A_14] : memref<3x2xf32, #tpu.memory_space<vmem>>[vector<16xi32>, vector<16xi32>], vector<16xf32>,
    %add3A_21 = arith.constant 0 : i32
    %add3A_22 = vector.broadcast %add3A_21 : i32 to vector<16xi32>
    %add3A_23 = arith.addi %add3A_22, %iota3A : vector<16xi32>
    %mul3A_24 = arith.constant 4 : i32
    %mul3A_25 = vector.broadcast %mul3A_24 : i32 to vector<16xi32>
    %mul3A_26 = arith.muli %add3A_23, %mul3A_25 : vector<16xi32>
    tpu.vector_store_idx %arg11[%mul3A_26], %gather3A : memref<2048xf32, #tpu.memory_space<vmem>>[vector<16xi32>], vector<16xf32>,
    %add3A_27 = arith.constant 1 : i32
    %add3A_28 = vector.broadcast %add3A_27 : i32 to vector<16xi32>
    %add3A_29 = arith.addi %mul3A_26, %add3A_28 : vector<16xi32>
    tpu.vector_store_idx %arg11[%add3A_29], %gather3A_18 : memref<2048xf32, #tpu.memory_space<vmem>>[vector<16xi32>], vector<16xf32>,
    %add3A_30 = arith.constant 2 : i32
    %add3A_31 = vector.broadcast %add3A_30 : i32 to vector<16xi32>
    %add3A_32 = arith.addi %mul3A_26, %add3A_31 : vector<16xi32>
    tpu.vector_store_idx %arg11[%add3A_32], %gather3A_19 : memref<2048xf32, #tpu.memory_space<vmem>>[vector<16xi32>], vector<16xf32>,
    %add3A_33 = arith.constant 3 : i32
    %add3A_34 = vector.broadcast %add3A_33 : i32 to vector<16xi32>
    %add3A_35 = arith.addi %mul3A_26, %add3A_34 : vector<16xi32>
    tpu.vector_store_idx %arg11[%add3A_35], %gather3A_20 : memref<2048xf32, #tpu.memory_space<vmem>>[vector<16xi32>], vector<16xf32>,
    %get3A_36 = arith.constant 16 : index
    %get3A_37 = tpu.vector_load %arg7[%get3A_36] {strides = array<i32>} : memref<512xi32, #tpu.memory_space<vmem>>, vector<16xi32>,
    %get3A_38 = arith.constant 16 : index
    %get3A_39 = tpu.vector_load %arg8[%get3A_38] {strides = array<i32>} : memref<512xi32, #tpu.memory_space<vmem>>, vector<16xi32>,
    %gather3A_40 = tpu.vector_load_idx %arg9[%get3A_37, %mul3A_11] : memref<3x2xf32, #tpu.memory_space<vmem>>[vector<16xi32>, vector<16xi32>], vector<16xf32>,
    %gather3A_41 = tpu.vector_load_idx %arg9[%get3A_37, %add3A_14] : memref<3x2xf32, #tpu.memory_space<vmem>>[vector<16xi32>, vector<16xi32>], vector<16xf32>,
    %gather3A_42 = tpu.vector_load_idx %arg10[%get3A_39, %mul3A_11] : memref<3x2xf32, #tpu.memory_space<vmem>>[vector<16xi32>, vector<16xi32>], vector<16xf32>,
    %gather3A_43 = tpu.vector_load_idx %arg10[%get3A_39, %add3A_14] : memref<3x2xf32, #tpu.memory_space<vmem>>[vector<16xi32>, vector<16xi32>], vector<16xf32>,
    %add3A_44 = arith.constant 16 : i32
    %add3A_45 = vector.broadcast %add3A_44 : i32 to vector<16xi32>
    %add3A_46 = arith.addi %add3A_45, %iota3A : vector<16xi32>
    %mul3A_47 = arith.constant 4 : i32
    %mul3A_48 = vector.broadcast %mul3A_47 : i32 to vector<16xi32>
    %mul3A_49 = arith.muli %add3A_46, %mul3A_48 : vector<16xi32>
    tpu.vector_store_idx %arg11[%mul3A_49], %gather3A_40 : memref<2048xf32, #tpu.memory_space<vmem>>[vector<16xi32>], vector<16xf32>,
    %add3A_50 = arith.constant 1 : i32
    %add3A_51 = vector.broadcast %add3A_50 : i32 to vector<16xi32>
    %add3A_52 = arith.addi %mul3A_49, %add3A_51 : vector<16xi32>
    tpu.vector_store_idx %arg11[%add3A_52], %gather3A_41 : memref<2048xf32, #tpu.memory_space<vmem>>[vector<16xi32>], vector<16xf32>,
    %add3A_53 = arith.constant 2 : i32
    %add3A_54 = vector.broadcast %add3A_53 : i32 to vector<16xi32>
    %add3A_55 = arith.addi %mul3A_49, %add3A_54 : vector<16xi32>
    tpu.vector_store_idx %arg11[%add3A_55], %gather3A_42 : memref<2048xf32, #tpu.memory_space<vmem>>[vector<16xi32>], vector<16xf32>,
    %add3A_56 = arith.constant 3 : i32
    %add3A_57 = vector.broadcast %add3A_56 : i32 to vector<16xi32>
    %add3A_58 = arith.addi %mul3A_49, %add3A_57 : vector<16xi32>
    tpu.vector_store_idx %arg11[%add3A_58], %gather3A_43 : memref<2048xf32, #tpu.memory_space<vmem>>[vector<16xi32>], vector<16xf32>,
    %get3A_59 = arith.constant 32 : index
    %get3A_60 = tpu.vector_load %arg7[%get3A_59] {strides = array<i32>} : memref<512xi32, #tpu.memory_space<vmem>>, vector<16xi32>,
    %get3A_61 = arith.constant 32 : index
    %get3A_62 = tpu.vector_load %arg8[%get3A_61] {strides = array<i32>} : memref<512xi32, #tpu.memory_space<vmem>>, vector<16xi32>,
    %gather3A_63 = tpu.vector_load_idx %arg9[%get3A_60, %mul3A_11] : memref<3x2xf32, #tpu.memory_space<vmem>>[vector<16xi32>, vector<16xi32>], vector<16xf32>,
    %gather3A_64 = tpu.vector_load_idx %arg9[%get3A_60, %add3A_14] : memref<3x2xf32, #tpu.memory_space<vmem>>[vector<16xi32>, vector<16xi32>], vector<16xf32>,
    %gather3A_65 = tpu.vector_load_idx %arg10[%get3A_62, %mul3A_11] : memref<3x2xf32, #tpu.memory_space<vmem>>[vector<16xi32>, vector<16xi32>], vector<16xf32>,
    %gather3A_66 = tpu.vector_load_idx %arg10[%get3A_62, %add3A_14] : memref<3x2xf32, #tpu.memory_space<vmem>>[vector<16xi32>, vector<16xi32>], vector<16xf32>,
    %add3A_67 = arith.constant 32 : i32
    %add3A_68 = vector.broadcast %add3A_67 : i32 to vector<16xi32>
    %add3A_69 = arith.addi %add3A_68, %iota3A : vector<16xi32>
    %mul3A_70 = arith.constant 4 : i32
    %mul3A_71 = vector.broadcast %mul3A_70 : i32 to vector<16xi32>
    %mul3A_72 = arith.muli %add3A_69, %mul3A_71 : vector<16xi32>
    tpu.vector_store_idx %arg11[%mul3A_72], %gather3A_63 : memref<2048xf32, #tpu.memory_space<vmem>>[vector<16xi32>], vector<16xf32>,
    %add3A_73 = arith.constant 1 : i32
    %add3A_74 = vector.broadcast %add3A_73 : i32 to vector<16xi32>
    %add3A_75 = arith.addi %mul3A_72, %add3A_74 : vector<16xi32>
    tpu.vector_store_idx %arg11[%add3A_75], %gather3A_64 : memref<2048xf32, #tpu.memory_space<vmem>>[vector<16xi32>], vector<16xf32>,
    %add3A_76 = arith.constant 2 : i32
    %add3A_77 = vector.broadcast %add3A_76 : i32 to vector<16xi32>
    %add3A_78 = arith.addi %mul3A_72, %add3A_77 : vector<16xi32>
    tpu.vector_store_idx %arg11[%add3A_78], %gather3A_65 : memref<2048xf32, #tpu.memory_space<vmem>>[vector<16xi32>], vector<16xf32>,
    %add3A_79 = arith.constant 3 : i32
    %add3A_80 = vector.broadcast %add3A_79 : i32 to vector<16xi32>
    %add3A_81 = arith.addi %mul3A_72, %add3A_80 : vector<16xi32>
    tpu.vector_store_idx %arg11[%add3A_81], %gather3A_66 : memref<2048xf32, #tpu.memory_space<vmem>>[vector<16xi32>], vector<16xf32>,
    %get3A_82 = arith.constant 48 : index
    %get3A_83 = tpu.vector_load %arg7[%get3A_82] {strides = array<i32>} : memref<512xi32, #tpu.memory_space<vmem>>, vector<16xi32>,
    %get3A_84 = arith.constant 48 : index
    %get3A_85 = tpu.vector_load %arg8[%get3A_84] {strides = array<i32>} : memref<512xi32, #tpu.memory_space<vmem>>, vector<16xi32>,
    %gather3A_86 = tpu.vector_load_idx %arg9[%get3A_83, %mul3A_11] : memref<3x2xf32, #tpu.memory_space<vmem>>[vector<16xi32>, vector<16xi32>], vector<16xf32>,
    %gather3A_87 = tpu.vector_load_idx %arg9[%get3A_83, %add3A_14] : memref<3x2xf32, #tpu.memory_space<vmem>>[vector<16xi32>, vector<16xi32>], vector<16xf32>,
    %gather3A_88 = tpu.vector_load_idx %arg10[%get3A_85, %mul3A_11] : memref<3x2xf32, #tpu.memory_space<vmem>>[vector<16xi32>, vector<16xi32>], vector<16xf32>,
    %gather3A_89 = tpu.vector_load_idx %arg10[%get3A_85, %add3A_14] : memref<3x2xf32, #tpu.memory_space<vmem>>[vector<16xi32>, vector<16xi32>], vector<16xf32>,
    %add3A_90 = arith.constant 48 : i32
    %add3A_91 = vector.broadcast %add3A_90 : i32 to vector<16xi32>
    %add3A_92 = arith.addi %add3A_91, %iota3A : vector<16xi32>
    %mul3A_93 = arith.constant 4 : i32
    %mul3A_94 = vector.broadcast %mul3A_93 : i32 to vector<16xi32>
    %mul3A_95 = arith.muli %add3A_92, %mul3A_94 : vector<16xi32>
    tpu.vector_store_idx %arg11[%mul3A_95], %gather3A_86 : memref<2048xf32, #tpu.memory_space<vmem>>[vector<16xi32>], vector<16xf32>,
    %add3A_96 = arith.constant 1 : i32
    %add3A_97 = vector.broadcast %add3A_96 : i32 to vector<16xi32>
    %add3A_98 = arith.addi %mul3A_95, %add3A_97 : vector<16xi32>
    tpu.vector_store_idx %arg11[%add3A_98], %gather3A_87 : memref<2048xf32, #tpu.memory_space<vmem>>[vector<16xi32>], vector<16xf32>,
    %add3A_99 = arith.constant 2 : i32
    %add3A_100 = vector.broadcast %add3A_99 : i32 to vector<16xi32>
    %add3A_101 = arith.addi %mul3A_95, %add3A_100 : vector<16xi32>
    tpu.vector_store_idx %arg11[%add3A_101], %gather3A_88 : memref<2048xf32, #tpu.memory_space<vmem>>[vector<16xi32>], vector<16xf32>,
    %add3A_102 = arith.constant 3 : i32
    %add3A_103 = vector.broadcast %add3A_102 : i32 to vector<16xi32>
    %add3A_104 = arith.addi %mul3A_95, %add3A_103 : vector<16xi32>
    tpu.vector_store_idx %arg11[%add3A_104], %gather3A_89 : memref<2048xf32, #tpu.memory_space<vmem>>[vector<16xi32>], vector<16xf32>,
    %get3A_105 = arith.constant 64 : index
    %get3A_106 = tpu.vector_load %arg7[%get3A_105] {strides = array<i32>} : memref<512xi32, #tpu.memory_space<vmem>>, vector<16xi32>,
    %get3A_107 = arith.constant 64 : index
    %get3A_108 = tpu.vector_load %arg8[%get3A_107] {strides = array<i32>} : memref<512xi32, #tpu.memory_space<vmem>>, vector<16xi32>,
    %gather3A_109 = tpu.vector_load_idx %arg9[%get3A_106, %mul3A_11] : memref<3x2xf32, #tpu.memory_space<vmem>>[vector<16xi32>, vector<16xi32>], vector<16xf32>,
    %gather3A_110 = tpu.vector_load_idx %arg9[%get3A_106, %add3A_14] : memref<3x2xf32, #tpu.memory_space<vmem>>[vector<16xi32>, vector<16xi32>], vector<16xf32>,
    %gather3A_111 = tpu.vector_load_idx %arg10[%get3A_108, %mul3A_11] : memref<3x2xf32, #tpu.memory_space<vmem>>[vector<16xi32>, vector<16xi32>], vector<16xf32>,
    %gather3A_112 = tpu.vector_load_idx %arg10[%get3A_108, %add3A_14] : memref<3x2xf32, #tpu.memory_space<vmem>>[vector<16xi32>, vector<16xi32>], vector<16xf32>,
    %add3A_113 = arith.constant 64 : i32
    %add3A_114 = vector.broadcast %add3A_113 : i32 to vector<16xi32>
    %add3A_115 = arith.addi %add3A_114, %iota3A : vector<16xi32>
    %mul3A_116 = arith.constant 4 : i32
    %mul3A_117 = vector.broadcast %mul3A_116 : i32 to vector<16xi32>
    %mul3A_118 = arith.muli %add3A_115, %mul3A_117 : vector<16xi32>
    tpu.vector_store_idx %arg11[%mul3A_118], %gather3A_109 : memref<2048xf32, #tpu.memory_space<vmem>>[vector<16xi32>], vector<16xf32>,
    %add3A_119 = arith.constant 1 : i32
    %add3A_120 = vector.broadcast %add3A_119 : i32 to vector<16xi32>
    %add3A_121 = arith.addi %mul3A_118, %add3A_120 : vector<16xi32>
    tpu.vector_store_idx %arg11[%add3A_121], %gather3A_110 : memref<2048xf32, #tpu.memory_space<vmem>>[vector<16xi32>], vector<16xf32>,
    %add3A_122 = arith.constant 2 : i32
    %add3A_123 = vector.broadcast %add3A_122 : i32 to vector<16xi32>
    %add3A_124 = arith.addi %mul3A_118, %add3A_123 : vector<16xi32>
    tpu.vector_store_idx %arg11[%add3A_124], %gather3A_111 : memref<2048xf32, #tpu.memory_space<vmem>>[vector<16xi32>], vector<16xf32>,
    %add3A_125 = arith.constant 3 : i32
    %add3A_126 = vector.broadcast %add3A_125 : i32 to vector<16xi32>
    %add3A_127 = arith.addi %mul3A_118, %add3A_126 : vector<16xi32>
    tpu.vector_store_idx %arg11[%add3A_127], %gather3A_112 : memref<2048xf32, #tpu.memory_space<vmem>>[vector<16xi32>], vector<16xf32>,
    %get3A_128 = arith.constant 80 : index
    %get3A_129 = tpu.vector_load %arg7[%get3A_128] {strides = array<i32>} : memref<512xi32, #tpu.memory_space<vmem>>, vector<16xi32>,
    %get3A_130 = arith.constant 80 : index
    %get3A_131 = tpu.vector_load %arg8[%get3A_130] {strides = array<i32>} : memref<512xi32, #tpu.memory_space<vmem>>, vector<16xi32>,
    %gather3A_132 = tpu.vector_load_idx %arg9[%get3A_129, %mul3A_11] : memref<3x2xf32, #tpu.memory_space<vmem>>[vector<16xi32>, vector<16xi32>], vector<16xf32>,
    %gather3A_133 = tpu.vector_load_idx %arg9[%get3A_129, %add3A_14] : memref<3x2xf32, #tpu.memory_space<vmem>>[vector<16xi32>, vector<16xi32>], vector<16xf32>,
    %gather3A_134 = tpu.vector_load_idx %arg10[%get3A_131, %mul3A_11] : memref<3x2xf32, #tpu.memory_space<vmem>>[vector<16xi32>, vector<16xi32>], vector<16xf32>,
    %gather3A_135 = tpu.vector_load_idx %arg10[%get3A_131, %add3A_14] : memref<3x2xf32, #tpu.memory_space<vmem>>[vector<16xi32>, vector<16xi32>], vector<16xf32>,
    %add3A_136 = arith.constant 80 : i32
    %add3A_137 = vector.broadcast %add3A_136 : i32 to vector<16xi32>
    %add3A_138 = arith.addi %add3A_137, %iota3A : vector<16xi32>
    %mul3A_139 = arith.constant 4 : i32
    %mul3A_140 = vector.broadcast %mul3A_139 : i32 to vector<16xi32>
    %mul3A_141 = arith.muli %add3A_138, %mul3A_140 : vector<16xi32>
    tpu.vector_store_idx %arg11[%mul3A_141], %gather3A_132 : memref<2048xf32, #tpu.memory_space<vmem>>[vector<16xi32>], vector<16xf32>,
    %add3A_142 = arith.constant 1 : i32
    %add3A_143 = vector.broadcast %add3A_142 : i32 to vector<16xi32>
    %add3A_144 = arith.addi %mul3A_141, %add3A_143 : vector<16xi32>
    tpu.vector_store_idx %arg11[%add3A_144], %gather3A_133 : memref<2048xf32, #tpu.memory_space<vmem>>[vector<16xi32>], vector<16xf32>,
    %add3A_145 = arith.constant 2 : i32
    %add3A_146 = vector.broadcast %add3A_145 : i32 to vector<16xi32>
    %add3A_147 = arith.addi %mul3A_141, %add3A_146 : vector<16xi32>
    tpu.vector_store_idx %arg11[%add3A_147], %gather3A_134 : memref<2048xf32, #tpu.memory_space<vmem>>[vector<16xi32>], vector<16xf32>,
    %add3A_148 = arith.constant 3 : i32
    %add3A_149 = vector.broadcast %add3A_148 : i32 to vector<16xi32>
    %add3A_150 = arith.addi %mul3A_141, %add3A_149 : vector<16xi32>
    tpu.vector_store_idx %arg11[%add3A_150], %gather3A_135 : memref<2048xf32, #tpu.memory_space<vmem>>[vector<16xi32>], vector<16xf32>,
    %get3A_151 = arith.constant 96 : index
    %get3A_152 = tpu.vector_load %arg7[%get3A_151] {strides = array<i32>} : memref<512xi32, #tpu.memory_space<vmem>>, vector<16xi32>,
    %get3A_153 = arith.constant 96 : index
    %get3A_154 = tpu.vector_load %arg8[%get3A_153] {strides = array<i32>} : memref<512xi32, #tpu.memory_space<vmem>>, vector<16xi32>,
    %gather3A_155 = tpu.vector_load_idx %arg9[%get3A_152, %mul3A_11] : memref<3x2xf32, #tpu.memory_space<vmem>>[vector<16xi32>, vector<16xi32>], vector<16xf32>,
    %gather3A_156 = tpu.vector_load_idx %arg9[%get3A_152, %add3A_14] : memref<3x2xf32, #tpu.memory_space<vmem>>[vector<16xi32>, vector<16xi32>], vector<16xf32>,
    %gather3A_157 = tpu.vector_load_idx %arg10[%get3A_154, %mul3A_11] : memref<3x2xf32, #tpu.memory_space<vmem>>[vector<16xi32>, vector<16xi32>], vector<16xf32>,
    %gather3A_158 = tpu.vector_load_idx %arg10[%get3A_154, %add3A_14] : memref<3x2xf32, #tpu.memory_space<vmem>>[vector<16xi32>, vector<16xi32>], vector<16xf32>,
    %add3A_159 = arith.constant 96 : i32
    %add3A_160 = vector.broadcast %add3A_159 : i32 to vector<16xi32>
    %add3A_161 = arith.addi %add3A_160, %iota3A : vector<16xi32>
    %mul3A_162 = arith.constant 4 : i32
    %mul3A_163 = vector.broadcast %mul3A_162 : i32 to vector<16xi32>
    %mul3A_164 = arith.muli %add3A_161, %mul3A_163 : vector<16xi32>
    tpu.vector_store_idx %arg11[%mul3A_164], %gather3A_155 : memref<2048xf32, #tpu.memory_space<vmem>>[vector<16xi32>], vector<16xf32>,
    %add3A_165 = arith.constant 1 : i32
    %add3A_166 = vector.broadcast %add3A_165 : i32 to vector<16xi32>
    %add3A_167 = arith.addi %mul3A_164, %add3A_166 : vector<16xi32>
    tpu.vector_store_idx %arg11[%add3A_167], %gather3A_156 : memref<2048xf32, #tpu.memory_space<vmem>>[vector<16xi32>], vector<16xf32>,
    %add3A_168 = arith.constant 2 : i32
    %add3A_169 = vector.broadcast %add3A_168 : i32 to vector<16xi32>
    %add3A_170 = arith.addi %mul3A_164, %add3A_169 : vector<16xi32>
    tpu.vector_store_idx %arg11[%add3A_170], %gather3A_157 : memref<2048xf32, #tpu.memory_space<vmem>>[vector<16xi32>], vector<16xf32>,
    %add3A_171 = arith.constant 3 : i32
    %add3A_172 = vector.broadcast %add3A_171 : i32 to vector<16xi32>
    %add3A_173 = arith.addi %mul3A_164, %add3A_172 : vector<16xi32>
    tpu.vector_store_idx %arg11[%add3A_173], %gather3A_158 : memref<2048xf32, #tpu.memory_space<vmem>>[vector<16xi32>], vector<16xf32>,
    %get3A_174 = arith.constant 112 : index
    %get3A_175 = tpu.vector_load %arg7[%get3A_174] {strides = array<i32>} : memref<512xi32, #tpu.memory_space<vmem>>, vector<16xi32>,
    %get3A_176 = arith.constant 112 : index
    %get3A_177 = tpu.vector_load %arg8[%get3A_176] {strides = array<i32>} : memref<512xi32, #tpu.memory_space<vmem>>, vector<16xi32>,
    %gather3A_178 = tpu.vector_load_idx %arg9[%get3A_175, %mul3A_11] : memref<3x2xf32, #tpu.memory_space<vmem>>[vector<16xi32>, vector<16xi32>], vector<16xf32>,
    %gather3A_179 = tpu.vector_load_idx %arg9[%get3A_175, %add3A_14] : memref<3x2xf32, #tpu.memory_space<vmem>>[vector<16xi32>, vector<16xi32>], vector<16xf32>,
    %gather3A_180 = tpu.vector_load_idx %arg10[%get3A_177, %mul3A_11] : memref<3x2xf32, #tpu.memory_space<vmem>>[vector<16xi32>, vector<16xi32>], vector<16xf32>,
    %gather3A_181 = tpu.vector_load_idx %arg10[%get3A_177, %add3A_14] : memref<3x2xf32, #tpu.memory_space<vmem>>[vector<16xi32>, vector<16xi32>], vector<16xf32>,
    %add3A_182 = arith.constant 112 : i32
    %add3A_183 = vector.broadcast %add3A_182 : i32 to vector<16xi32>
    %add3A_184 = arith.addi %add3A_183, %iota3A : vector<16xi32>
    %mul3A_185 = arith.constant 4 : i32
    %mul3A_186 = vector.broadcast %mul3A_185 : i32 to vector<16xi32>
    %mul3A_187 = arith.muli %add3A_184, %mul3A_186 : vector<16xi32>
    tpu.vector_store_idx %arg11[%mul3A_187], %gather3A_178 : memref<2048xf32, #tpu.memory_space<vmem>>[vector<16xi32>], vector<16xf32>,
    %add3A_188 = arith.constant 1 : i32
    %add3A_189 = vector.broadcast %add3A_188 : i32 to vector<16xi32>
    %add3A_190 = arith.addi %mul3A_187, %add3A_189 : vector<16xi32>
    tpu.vector_store_idx %arg11[%add3A_190], %gather3A_179 : memref<2048xf32, #tpu.memory_space<vmem>>[vector<16xi32>], vector<16xf32>,
    %add3A_191 = arith.constant 2 : i32
    %add3A_192 = vector.broadcast %add3A_191 : i32 to vector<16xi32>
    %add3A_193 = arith.addi %mul3A_187, %add3A_192 : vector<16xi32>
    tpu.vector_store_idx %arg11[%add3A_193], %gather3A_180 : memref<2048xf32, #tpu.memory_space<vmem>>[vector<16xi32>], vector<16xf32>,
    %add3A_194 = arith.constant 3 : i32
    %add3A_195 = vector.broadcast %add3A_194 : i32 to vector<16xi32>
    %add3A_196 = arith.addi %mul3A_187, %add3A_195 : vector<16xi32>
    tpu.vector_store_idx %arg11[%add3A_196], %gather3A_181 : memref<2048xf32, #tpu.memory_space<vmem>>[vector<16xi32>], vector<16xf32>,
    %get3A_197 = arith.constant 128 : index
    %get3A_198 = tpu.vector_load %arg7[%get3A_197] {strides = array<i32>} : memref<512xi32, #tpu.memory_space<vmem>>, vector<16xi32>,
    %get3A_199 = arith.constant 128 : index
    %get3A_200 = tpu.vector_load %arg8[%get3A_199] {strides = array<i32>} : memref<512xi32, #tpu.memory_space<vmem>>, vector<16xi32>,
    %gather3A_201 = tpu.vector_load_idx %arg9[%get3A_198, %mul3A_11] : memref<3x2xf32, #tpu.memory_space<vmem>>[vector<16xi32>, vector<16xi32>], vector<16xf32>,
    %gather3A_202 = tpu.vector_load_idx %arg9[%get3A_198, %add3A_14] : memref<3x2xf32, #tpu.memory_space<vmem>>[vector<16xi32>, vector<16xi32>], vector<16xf32>,
    %gather3A_203 = tpu.vector_load_idx %arg10[%get3A_200, %mul3A_11] : memref<3x2xf32, #tpu.memory_space<vmem>>[vector<16xi32>, vector<16xi32>], vector<16xf32>,
    %gather3A_204 = tpu.vector_load_idx %arg10[%get3A_200, %add3A_14] : memref<3x2xf32, #tpu.memory_space<vmem>>[vector<16xi32>, vector<16xi32>], vector<16xf32>,
    %add3A_205 = arith.constant 128 : i32
    %add3A_206 = vector.broadcast %add3A_205 : i32 to vector<16xi32>
    %add3A_207 = arith.addi %add3A_206, %iota3A : vector<16xi32>
    %mul3A_208 = arith.constant 4 : i32
    %mul3A_209 = vector.broadcast %mul3A_208 : i32 to vector<16xi32>
    %mul3A_210 = arith.muli %add3A_207, %mul3A_209 : vector<16xi32>
    tpu.vector_store_idx %arg11[%mul3A_210], %gather3A_201 : memref<2048xf32, #tpu.memory_space<vmem>>[vector<16xi32>], vector<16xf32>,
    %add3A_211 = arith.constant 1 : i32
    %add3A_212 = vector.broadcast %add3A_211 : i32 to vector<16xi32>
    %add3A_213 = arith.addi %mul3A_210, %add3A_212 : vector<16xi32>
    tpu.vector_store_idx %arg11[%add3A_213], %gather3A_202 : memref<2048xf32, #tpu.memory_space<vmem>>[vector<16xi32>], vector<16xf32>,
    %add3A_214 = arith.constant 2 : i32
    %add3A_215 = vector.broadcast %add3A_214 : i32 to vector<16xi32>
    %add3A_216 = arith.addi %mul3A_210, %add3A_215 : vector<16xi32>
    tpu.vector_store_idx %arg11[%add3A_216], %gather3A_203 : memref<2048xf32, #tpu.memory_space<vmem>>[vector<16xi32>], vector<16xf32>,
    %add3A_217 = arith.constant 3 : i32
    %add3A_218 = vector.broadcast %add3A_217 : i32 to vector<16xi32>
    %add3A_219 = arith.addi %mul3A_210, %add3A_218 : vector<16xi32>
    tpu.vector_store_idx %arg11[%add3A_219], %gather3A_204 : memref<2048xf32, #tpu.memory_space<vmem>>[vector<16xi32>], vector<16xf32>,
    %get3A_220 = arith.constant 144 : index
    %get3A_221 = tpu.vector_load %arg7[%get3A_220] {strides = array<i32>} : memref<512xi32, #tpu.memory_space<vmem>>, vector<16xi32>,
    %get3A_222 = arith.constant 144 : index
    %get3A_223 = tpu.vector_load %arg8[%get3A_222] {strides = array<i32>} : memref<512xi32, #tpu.memory_space<vmem>>, vector<16xi32>,
    %gather3A_224 = tpu.vector_load_idx %arg9[%get3A_221, %mul3A_11] : memref<3x2xf32, #tpu.memory_space<vmem>>[vector<16xi32>, vector<16xi32>], vector<16xf32>,
    %gather3A_225 = tpu.vector_load_idx %arg9[%get3A_221, %add3A_14] : memref<3x2xf32, #tpu.memory_space<vmem>>[vector<16xi32>, vector<16xi32>], vector<16xf32>,
    %gather3A_226 = tpu.vector_load_idx %arg10[%get3A_223, %mul3A_11] : memref<3x2xf32, #tpu.memory_space<vmem>>[vector<16xi32>, vector<16xi32>], vector<16xf32>,
    %gather3A_227 = tpu.vector_load_idx %arg10[%get3A_223, %add3A_14] : memref<3x2xf32, #tpu.memory_space<vmem>>[vector<16xi32>, vector<16xi32>], vector<16xf32>,
    %add3A_228 = arith.constant 144 : i32
    %add3A_229 = vector.broadcast %add3A_228 : i32 to vector<16xi32>
    %add3A_230 = arith.addi %add3A_229, %iota3A : vector<16xi32>
    %mul3A_231 = arith.constant 4 : i32
    %mul3A_232 = vector.broadcast %mul3A_231 : i32 to vector<16xi32>
    %mul3A_233 = arith.muli %add3A_230, %mul3A_232 : vector<16xi32>
    tpu.vector_store_idx %arg11[%mul3A_233], %gather3A_224 : memref<2048xf32, #tpu.memory_space<vmem>>[vector<16xi32>], vector<16xf32>,
    %add3A_234 = arith.constant 1 : i32
    %add3A_235 = vector.broadcast %add3A_234 : i32 to vector<16xi32>
    %add3A_236 = arith.addi %mul3A_233, %add3A_235 : vector<16xi32>
    tpu.vector_store_idx %arg11[%add3A_236], %gather3A_225 : memref<2048xf32, #tpu.memory_space<vmem>>[vector<16xi32>], vector<16xf32>,
    %add3A_237 = arith.constant 2 : i32
    %add3A_238 = vector.broadcast %add3A_237 : i32 to vector<16xi32>
    %add3A_239 = arith.addi %mul3A_233, %add3A_238 : vector<16xi32>
    tpu.vector_store_idx %arg11[%add3A_239], %gather3A_226 : memref<2048xf32, #tpu.memory_space<vmem>>[vector<16xi32>], vector<16xf32>,
    %add3A_240 = arith.constant 3 : i32
    %add3A_241 = vector.broadcast %add3A_240 : i32 to vector<16xi32>
    %add3A_242 = arith.addi %mul3A_233, %add3A_241 : vector<16xi32>
    tpu.vector_store_idx %arg11[%add3A_242], %gather3A_227 : memref<2048xf32, #tpu.memory_space<vmem>>[vector<16xi32>], vector<16xf32>,
    %get3A_243 = arith.constant 160 : index
    %get3A_244 = tpu.vector_load %arg7[%get3A_243] {strides = array<i32>} : memref<512xi32, #tpu.memory_space<vmem>>, vector<16xi32>,
    %get3A_245 = arith.constant 160 : index
    %get3A_246 = tpu.vector_load %arg8[%get3A_245] {strides = array<i32>} : memref<512xi32, #tpu.memory_space<vmem>>, vector<16xi32>,
    %gather3A_247 = tpu.vector_load_idx %arg9[%get3A_244, %mul3A_11] : memref<3x2xf32, #tpu.memory_space<vmem>>[vector<16xi32>, vector<16xi32>], vector<16xf32>,
    %gather3A_248 = tpu.vector_load_idx %arg9[%get3A_244, %add3A_14] : memref<3x2xf32, #tpu.memory_space<vmem>>[vector<16xi32>, vector<16xi32>], vector<16xf32>,
    %gather3A_249 = tpu.vector_load_idx %arg10[%get3A_246, %mul3A_11] : memref<3x2xf32, #tpu.memory_space<vmem>>[vector<16xi32>, vector<16xi32>], vector<16xf32>,
    %gather3A_250 = tpu.vector_load_idx %arg10[%get3A_246, %add3A_14] : memref<3x2xf32, #tpu.memory_space<vmem>>[vector<16xi32>, vector<16xi32>], vector<16xf32>,
    %add3A_251 = arith.constant 160 : i32
    %add3A_252 = vector.broadcast %add3A_251 : i32 to vector<16xi32>
    %add3A_253 = arith.addi %add3A_252, %iota3A : vector<16xi32>
    %mul3A_254 = arith.constant 4 : i32
    %mul3A_255 = vector.broadcast %mul3A_254 : i32 to vector<16xi32>
    %mul3A_256 = arith.muli %add3A_253, %mul3A_255 : vector<16xi32>
    tpu.vector_store_idx %arg11[%mul3A_256], %gather3A_247 : memref<2048xf32, #tpu.memory_space<vmem>>[vector<16xi32>], vector<16xf32>,
    %add3A_257 = arith.constant 1 : i32
    %add3A_258 = vector.broadcast %add3A_257 : i32 to vector<16xi32>
    %add3A_259 = arith.addi %mul3A_256, %add3A_258 : vector<16xi32>
    tpu.vector_store_idx %arg11[%add3A_259], %gather3A_248 : memref<2048xf32, #tpu.memory_space<vmem>>[vector<16xi32>], vector<16xf32>,
    %add3A_260 = arith.constant 2 : i32
    %add3A_261 = vector.broadcast %add3A_260 : i32 to vector<16xi32>
    %add3A_262 = arith.addi %mul3A_256, %add3A_261 : vector<16xi32>
    tpu.vector_store_idx %arg11[%add3A_262], %gather3A_249 : memref<2048xf32, #tpu.memory_space<vmem>>[vector<16xi32>], vector<16xf32>,
    %add3A_263 = arith.constant 3 : i32
    %add3A_264 = vector.broadcast %add3A_263 : i32 to vector<16xi32>
    %add3A_265 = arith.addi %mul3A_256, %add3A_264 : vector<16xi32>
    tpu.vector_store_idx %arg11[%add3A_265], %gather3A_250 : memref<2048xf32, #tpu.memory_space<vmem>>[vector<16xi32>], vector<16xf32>,
    %get3A_266 = arith.constant 176 : index
    %get3A_267 = tpu.vector_load %arg7[%get3A_266] {strides = array<i32>} : memref<512xi32, #tpu.memory_space<vmem>>, vector<16xi32>,
    %get3A_268 = arith.constant 176 : index
    %get3A_269 = tpu.vector_load %arg8[%get3A_268] {strides = array<i32>} : memref<512xi32, #tpu.memory_space<vmem>>, vector<16xi32>,
    %gather3A_270 = tpu.vector_load_idx %arg9[%get3A_267, %mul3A_11] : memref<3x2xf32, #tpu.memory_space<vmem>>[vector<16xi32>, vector<16xi32>], vector<16xf32>,
    %gather3A_271 = tpu.vector_load_idx %arg9[%get3A_267, %add3A_14] : memref<3x2xf32, #tpu.memory_space<vmem>>[vector<16xi32>, vector<16xi32>], vector<16xf32>,
    %gather3A_272 = tpu.vector_load_idx %arg10[%get3A_269, %mul3A_11] : memref<3x2xf32, #tpu.memory_space<vmem>>[vector<16xi32>, vector<16xi32>], vector<16xf32>,
    %gather3A_273 = tpu.vector_load_idx %arg10[%get3A_269, %add3A_14] : memref<3x2xf32, #tpu.memory_space<vmem>>[vector<16xi32>, vector<16xi32>], vector<16xf32>,
    %add3A_274 = arith.constant 176 : i32
    %add3A_275 = vector.broadcast %add3A_274 : i32 to vector<16xi32>
    %add3A_276 = arith.addi %add3A_275, %iota3A : vector<16xi32>
    %mul3A_277 = arith.constant 4 : i32
    %mul3A_278 = vector.broadcast %mul3A_277 : i32 to vector<16xi32>
    %mul3A_279 = arith.muli %add3A_276, %mul3A_278 : vector<16xi32>
    tpu.vector_store_idx %arg11[%mul3A_279], %gather3A_270 : memref<2048xf32, #tpu.memory_space<vmem>>[vector<16xi32>], vector<16xf32>,
    %add3A_280 = arith.constant 1 : i32
    %add3A_281 = vector.broadcast %add3A_280 : i32 to vector<16xi32>
    %add3A_282 = arith.addi %mul3A_279, %add3A_281 : vector<16xi32>
    tpu.vector_store_idx %arg11[%add3A_282], %gather3A_271 : memref<2048xf32, #tpu.memory_space<vmem>>[vector<16xi32>], vector<16xf32>,
    %add3A_283 = arith.constant 2 : i32
    %add3A_284 = vector.broadcast %add3A_283 : i32 to vector<16xi32>
    %add3A_285 = arith.addi %mul3A_279, %add3A_284 : vector<16xi32>
    tpu.vector_store_idx %arg11[%add3A_285], %gather3A_272 : memref<2048xf32, #tpu.memory_space<vmem>>[vector<16xi32>], vector<16xf32>,
    %add3A_286 = arith.constant 3 : i32
    %add3A_287 = vector.broadcast %add3A_286 : i32 to vector<16xi32>
    %add3A_288 = arith.addi %mul3A_279, %add3A_287 : vector<16xi32>
    tpu.vector_store_idx %arg11[%add3A_288], %gather3A_273 : memref<2048xf32, #tpu.memory_space<vmem>>[vector<16xi32>], vector<16xf32>,
    %get3A_289 = arith.constant 192 : index
    %get3A_290 = tpu.vector_load %arg7[%get3A_289] {strides = array<i32>} : memref<512xi32, #tpu.memory_space<vmem>>, vector<16xi32>,
    %get3A_291 = arith.constant 192 : index
    %get3A_292 = tpu.vector_load %arg8[%get3A_291] {strides = array<i32>} : memref<512xi32, #tpu.memory_space<vmem>>, vector<16xi32>,
    %gather3A_293 = tpu.vector_load_idx %arg9[%get3A_290, %mul3A_11] : memref<3x2xf32, #tpu.memory_space<vmem>>[vector<16xi32>, vector<16xi32>], vector<16xf32>,
    %gather3A_294 = tpu.vector_load_idx %arg9[%get3A_290, %add3A_14] : memref<3x2xf32, #tpu.memory_space<vmem>>[vector<16xi32>, vector<16xi32>], vector<16xf32>,
    %gather3A_295 = tpu.vector_load_idx %arg10[%get3A_292, %mul3A_11] : memref<3x2xf32, #tpu.memory_space<vmem>>[vector<16xi32>, vector<16xi32>], vector<16xf32>,
    %gather3A_296 = tpu.vector_load_idx %arg10[%get3A_292, %add3A_14] : memref<3x2xf32, #tpu.memory_space<vmem>>[vector<16xi32>, vector<16xi32>], vector<16xf32>,
    %add3A_297 = arith.constant 192 : i32
    %add3A_298 = vector.broadcast %add3A_297 : i32 to vector<16xi32>
    %add3A_299 = arith.addi %add3A_298, %iota3A : vector<16xi32>
    %mul3A_300 = arith.constant 4 : i32
    %mul3A_301 = vector.broadcast %mul3A_300 : i32 to vector<16xi32>
    %mul3A_302 = arith.muli %add3A_299, %mul3A_301 : vector<16xi32>
    tpu.vector_store_idx %arg11[%mul3A_302], %gather3A_293 : memref<2048xf32, #tpu.memory_space<vmem>>[vector<16xi32>], vector<16xf32>,
    %add3A_303 = arith.constant 1 : i32
    %add3A_304 = vector.broadcast %add3A_303 : i32 to vector<16xi32>
    %add3A_305 = arith.addi %mul3A_302, %add3A_304 : vector<16xi32>
    tpu.vector_store_idx %arg11[%add3A_305], %gather3A_294 : memref<2048xf32, #tpu.memory_space<vmem>>[vector<16xi32>], vector<16xf32>,
    %add3A_306 = arith.constant 2 : i32
    %add3A_307 = vector.broadcast %add3A_306 : i32 to vector<16xi32>
    %add3A_308 = arith.addi %mul3A_302, %add3A_307 : vector<16xi32>
    tpu.vector_store_idx %arg11[%add3A_308], %gather3A_295 : memref<2048xf32, #tpu.memory_space<vmem>>[vector<16xi32>], vector<16xf32>,
    %add3A_309 = arith.constant 3 : i32
    %add3A_310 = vector.broadcast %add3A_309 : i32 to vector<16xi32>
    %add3A_311 = arith.addi %mul3A_302, %add3A_310 : vector<16xi32>
    tpu.vector_store_idx %arg11[%add3A_311], %gather3A_296 : memref<2048xf32, #tpu.memory_space<vmem>>[vector<16xi32>], vector<16xf32>,
    %get3A_312 = arith.constant 208 : index
    %get3A_313 = tpu.vector_load %arg7[%get3A_312] {strides = array<i32>} : memref<512xi32, #tpu.memory_space<vmem>>, vector<16xi32>,
    %get3A_314 = arith.constant 208 : index
    %get3A_315 = tpu.vector_load %arg8[%get3A_314] {strides = array<i32>} : memref<512xi32, #tpu.memory_space<vmem>>, vector<16xi32>,
    %gather3A_316 = tpu.vector_load_idx %arg9[%get3A_313, %mul3A_11] : memref<3x2xf32, #tpu.memory_space<vmem>>[vector<16xi32>, vector<16xi32>], vector<16xf32>,
    %gather3A_317 = tpu.vector_load_idx %arg9[%get3A_313, %add3A_14] : memref<3x2xf32, #tpu.memory_space<vmem>>[vector<16xi32>, vector<16xi32>], vector<16xf32>,
    %gather3A_318 = tpu.vector_load_idx %arg10[%get3A_315, %mul3A_11] : memref<3x2xf32, #tpu.memory_space<vmem>>[vector<16xi32>, vector<16xi32>], vector<16xf32>,
    %gather3A_319 = tpu.vector_load_idx %arg10[%get3A_315, %add3A_14] : memref<3x2xf32, #tpu.memory_space<vmem>>[vector<16xi32>, vector<16xi32>], vector<16xf32>,
    %add3A_320 = arith.constant 208 : i32
    %add3A_321 = vector.broadcast %add3A_320 : i32 to vector<16xi32>
    %add3A_322 = arith.addi %add3A_321, %iota3A : vector<16xi32>
    %mul3A_323 = arith.constant 4 : i32
    %mul3A_324 = vector.broadcast %mul3A_323 : i32 to vector<16xi32>
    %mul3A_325 = arith.muli %add3A_322, %mul3A_324 : vector<16xi32>
    tpu.vector_store_idx %arg11[%mul3A_325], %gather3A_316 : memref<2048xf32, #tpu.memory_space<vmem>>[vector<16xi32>], vector<16xf32>,
    %add3A_326 = arith.constant 1 : i32
    %add3A_327 = vector.broadcast %add3A_326 : i32 to vector<16xi32>
    %add3A_328 = arith.addi %mul3A_325, %add3A_327 : vector<16xi32>
    tpu.vector_store_idx %arg11[%add3A_328], %gather3A_317 : memref<2048xf32, #tpu.memory_space<vmem>>[vector<16xi32>], vector<16xf32>,
    %add3A_329 = arith.constant 2 : i32
    %add3A_330 = vector.broadcast %add3A_329 : i32 to vector<16xi32>
    %add3A_331 = arith.addi %mul3A_325, %add3A_330 : vector<16xi32>
    tpu.vector_store_idx %arg11[%add3A_331], %gather3A_318 : memref<2048xf32, #tpu.memory_space<vmem>>[vector<16xi32>], vector<16xf32>,
    %add3A_332 = arith.constant 3 : i32
    %add3A_333 = vector.broadcast %add3A_332 : i32 to vector<16xi32>
    %add3A_334 = arith.addi %mul3A_325, %add3A_333 : vector<16xi32>
    tpu.vector_store_idx %arg11[%add3A_334], %gather3A_319 : memref<2048xf32, #tpu.memory_space<vmem>>[vector<16xi32>], vector<16xf32>,
    %get3A_335 = arith.constant 224 : index
    %get3A_336 = tpu.vector_load %arg7[%get3A_335] {strides = array<i32>} : memref<512xi32, #tpu.memory_space<vmem>>, vector<16xi32>,
    %get3A_337 = arith.constant 224 : index
    %get3A_338 = tpu.vector_load %arg8[%get3A_337] {strides = array<i32>} : memref<512xi32, #tpu.memory_space<vmem>>, vector<16xi32>,
    %gather3A_339 = tpu.vector_load_idx %arg9[%get3A_336, %mul3A_11] : memref<3x2xf32, #tpu.memory_space<vmem>>[vector<16xi32>, vector<16xi32>], vector<16xf32>,
    %gather3A_340 = tpu.vector_load_idx %arg9[%get3A_336, %add3A_14] : memref<3x2xf32, #tpu.memory_space<vmem>>[vector<16xi32>, vector<16xi32>], vector<16xf32>,
    %gather3A_341 = tpu.vector_load_idx %arg10[%get3A_338, %mul3A_11] : memref<3x2xf32, #tpu.memory_space<vmem>>[vector<16xi32>, vector<16xi32>], vector<16xf32>,
    %gather3A_342 = tpu.vector_load_idx %arg10[%get3A_338, %add3A_14] : memref<3x2xf32, #tpu.memory_space<vmem>>[vector<16xi32>, vector<16xi32>], vector<16xf32>,
    %add3A_343 = arith.constant 224 : i32
    %add3A_344 = vector.broadcast %add3A_343 : i32 to vector<16xi32>
    %add3A_345 = arith.addi %add3A_344, %iota3A : vector<16xi32>
    %mul3A_346 = arith.constant 4 : i32
    %mul3A_347 = vector.broadcast %mul3A_346 : i32 to vector<16xi32>
    %mul3A_348 = arith.muli %add3A_345, %mul3A_347 : vector<16xi32>
    tpu.vector_store_idx %arg11[%mul3A_348], %gather3A_339 : memref<2048xf32, #tpu.memory_space<vmem>>[vector<16xi32>], vector<16xf32>,
    %add3A_349 = arith.constant 1 : i32
    %add3A_350 = vector.broadcast %add3A_349 : i32 to vector<16xi32>
    %add3A_351 = arith.addi %mul3A_348, %add3A_350 : vector<16xi32>
    tpu.vector_store_idx %arg11[%add3A_351], %gather3A_340 : memref<2048xf32, #tpu.memory_space<vmem>>[vector<16xi32>], vector<16xf32>,
    %add3A_352 = arith.constant 2 : i32
    %add3A_353 = vector.broadcast %add3A_352 : i32 to vector<16xi32>
    %add3A_354 = arith.addi %mul3A_348, %add3A_353 : vector<16xi32>
    tpu.vector_store_idx %arg11[%add3A_354], %gather3A_341 : memref<2048xf32, #tpu.memory_space<vmem>>[vector<16xi32>], vector<16xf32>,
    %add3A_355 = arith.constant 3 : i32
    %add3A_356 = vector.broadcast %add3A_355 : i32 to vector<16xi32>
    %add3A_357 = arith.addi %mul3A_348, %add3A_356 : vector<16xi32>
    tpu.vector_store_idx %arg11[%add3A_357], %gather3A_342 : memref<2048xf32, #tpu.memory_space<vmem>>[vector<16xi32>], vector<16xf32>,
    %get3A_358 = arith.constant 240 : index
    %get3A_359 = tpu.vector_load %arg7[%get3A_358] {strides = array<i32>} : memref<512xi32, #tpu.memory_space<vmem>>, vector<16xi32>,
    %get3A_360 = arith.constant 240 : index
    %get3A_361 = tpu.vector_load %arg8[%get3A_360] {strides = array<i32>} : memref<512xi32, #tpu.memory_space<vmem>>, vector<16xi32>,
    %gather3A_362 = tpu.vector_load_idx %arg9[%get3A_359, %mul3A_11] : memref<3x2xf32, #tpu.memory_space<vmem>>[vector<16xi32>, vector<16xi32>], vector<16xf32>,
    %gather3A_363 = tpu.vector_load_idx %arg9[%get3A_359, %add3A_14] : memref<3x2xf32, #tpu.memory_space<vmem>>[vector<16xi32>, vector<16xi32>], vector<16xf32>,
    %gather3A_364 = tpu.vector_load_idx %arg10[%get3A_361, %mul3A_11] : memref<3x2xf32, #tpu.memory_space<vmem>>[vector<16xi32>, vector<16xi32>], vector<16xf32>,
    %gather3A_365 = tpu.vector_load_idx %arg10[%get3A_361, %add3A_14] : memref<3x2xf32, #tpu.memory_space<vmem>>[vector<16xi32>, vector<16xi32>], vector<16xf32>,
    %add3A_366 = arith.constant 240 : i32
    %add3A_367 = vector.broadcast %add3A_366 : i32 to vector<16xi32>
    %add3A_368 = arith.addi %add3A_367, %iota3A : vector<16xi32>
    %mul3A_369 = arith.constant 4 : i32
    %mul3A_370 = vector.broadcast %mul3A_369 : i32 to vector<16xi32>
    %mul3A_371 = arith.muli %add3A_368, %mul3A_370 : vector<16xi32>
    tpu.vector_store_idx %arg11[%mul3A_371], %gather3A_362 : memref<2048xf32, #tpu.memory_space<vmem>>[vector<16xi32>], vector<16xf32>,
    %add3A_372 = arith.constant 1 : i32
    %add3A_373 = vector.broadcast %add3A_372 : i32 to vector<16xi32>
    %add3A_374 = arith.addi %mul3A_371, %add3A_373 : vector<16xi32>
    tpu.vector_store_idx %arg11[%add3A_374], %gather3A_363 : memref<2048xf32, #tpu.memory_space<vmem>>[vector<16xi32>], vector<16xf32>,
    %add3A_375 = arith.constant 2 : i32
    %add3A_376 = vector.broadcast %add3A_375 : i32 to vector<16xi32>
    %add3A_377 = arith.addi %mul3A_371, %add3A_376 : vector<16xi32>
    tpu.vector_store_idx %arg11[%add3A_377], %gather3A_364 : memref<2048xf32, #tpu.memory_space<vmem>>[vector<16xi32>], vector<16xf32>,
    %add3A_378 = arith.constant 3 : i32
    %add3A_379 = vector.broadcast %add3A_378 : i32 to vector<16xi32>
    %add3A_380 = arith.addi %mul3A_371, %add3A_379 : vector<16xi32>
    tpu.vector_store_idx %arg11[%add3A_380], %gather3A_365 : memref<2048xf32, #tpu.memory_space<vmem>>[vector<16xi32>], vector<16xf32>,
    %get3A_381 = arith.constant 256 : index
    %get3A_382 = tpu.vector_load %arg7[%get3A_381] {strides = array<i32>} : memref<512xi32, #tpu.memory_space<vmem>>, vector<16xi32>,
    %get3A_383 = arith.constant 256 : index
    %get3A_384 = tpu.vector_load %arg8[%get3A_383] {strides = array<i32>} : memref<512xi32, #tpu.memory_space<vmem>>, vector<16xi32>,
    %gather3A_385 = tpu.vector_load_idx %arg9[%get3A_382, %mul3A_11] : memref<3x2xf32, #tpu.memory_space<vmem>>[vector<16xi32>, vector<16xi32>], vector<16xf32>,
    %gather3A_386 = tpu.vector_load_idx %arg9[%get3A_382, %add3A_14] : memref<3x2xf32, #tpu.memory_space<vmem>>[vector<16xi32>, vector<16xi32>], vector<16xf32>,
    %gather3A_387 = tpu.vector_load_idx %arg10[%get3A_384, %mul3A_11] : memref<3x2xf32, #tpu.memory_space<vmem>>[vector<16xi32>, vector<16xi32>], vector<16xf32>,
    %gather3A_388 = tpu.vector_load_idx %arg10[%get3A_384, %add3A_14] : memref<3x2xf32, #tpu.memory_space<vmem>>[vector<16xi32>, vector<16xi32>], vector<16xf32>,
    %add3A_389 = arith.constant 256 : i32
    %add3A_390 = vector.broadcast %add3A_389 : i32 to vector<16xi32>
    %add3A_391 = arith.addi %add3A_390, %iota3A : vector<16xi32>
    %mul3A_392 = arith.constant 4 : i32
    %mul3A_393 = vector.broadcast %mul3A_392 : i32 to vector<16xi32>
    %mul3A_394 = arith.muli %add3A_391, %mul3A_393 : vector<16xi32>
    tpu.vector_store_idx %arg11[%mul3A_394], %gather3A_385 : memref<2048xf32, #tpu.memory_space<vmem>>[vector<16xi32>], vector<16xf32>,
    %add3A_395 = arith.constant 1 : i32
    %add3A_396 = vector.broadcast %add3A_395 : i32 to vector<16xi32>
    %add3A_397 = arith.addi %mul3A_394, %add3A_396 : vector<16xi32>
    tpu.vector_store_idx %arg11[%add3A_397], %gather3A_386 : memref<2048xf32, #tpu.memory_space<vmem>>[vector<16xi32>], vector<16xf32>,
    %add3A_398 = arith.constant 2 : i32
    %add3A_399 = vector.broadcast %add3A_398 : i32 to vector<16xi32>
    %add3A_400 = arith.addi %mul3A_394, %add3A_399 : vector<16xi32>
    tpu.vector_store_idx %arg11[%add3A_400], %gather3A_387 : memref<2048xf32, #tpu.memory_space<vmem>>[vector<16xi32>], vector<16xf32>,
    %add3A_401 = arith.constant 3 : i32
    %add3A_402 = vector.broadcast %add3A_401 : i32 to vector<16xi32>
    %add3A_403 = arith.addi %mul3A_394, %add3A_402 : vector<16xi32>
    tpu.vector_store_idx %arg11[%add3A_403], %gather3A_388 : memref<2048xf32, #tpu.memory_space<vmem>>[vector<16xi32>], vector<16xf32>,
    %get3A_404 = arith.constant 272 : index
    %get3A_405 = tpu.vector_load %arg7[%get3A_404] {strides = array<i32>} : memref<512xi32, #tpu.memory_space<vmem>>, vector<16xi32>,
    %get3A_406 = arith.constant 272 : index
    %get3A_407 = tpu.vector_load %arg8[%get3A_406] {strides = array<i32>} : memref<512xi32, #tpu.memory_space<vmem>>, vector<16xi32>,
    %gather3A_408 = tpu.vector_load_idx %arg9[%get3A_405, %mul3A_11] : memref<3x2xf32, #tpu.memory_space<vmem>>[vector<16xi32>, vector<16xi32>], vector<16xf32>,
    %gather3A_409 = tpu.vector_load_idx %arg9[%get3A_405, %add3A_14] : memref<3x2xf32, #tpu.memory_space<vmem>>[vector<16xi32>, vector<16xi32>], vector<16xf32>,
    %gather3A_410 = tpu.vector_load_idx %arg10[%get3A_407, %mul3A_11] : memref<3x2xf32, #tpu.memory_space<vmem>>[vector<16xi32>, vector<16xi32>], vector<16xf32>,
    %gather3A_411 = tpu.vector_load_idx %arg10[%get3A_407, %add3A_14] : memref<3x2xf32, #tpu.memory_space<vmem>>[vector<16xi32>, vector<16xi32>], vector<16xf32>,
    %add3A_412 = arith.constant 272 : i32
    %add3A_413 = vector.broadcast %add3A_412 : i32 to vector<16xi32>
    %add3A_414 = arith.addi %add3A_413, %iota3A : vector<16xi32>
    %mul3A_415 = arith.constant 4 : i32
    %mul3A_416 = vector.broadcast %mul3A_415 : i32 to vector<16xi32>
    %mul3A_417 = arith.muli %add3A_414, %mul3A_416 : vector<16xi32>
    tpu.vector_store_idx %arg11[%mul3A_417], %gather3A_408 : memref<2048xf32, #tpu.memory_space<vmem>>[vector<16xi32>], vector<16xf32>,
    %add3A_418 = arith.constant 1 : i32
    %add3A_419 = vector.broadcast %add3A_418 : i32 to vector<16xi32>
    %add3A_420 = arith.addi %mul3A_417, %add3A_419 : vector<16xi32>
    tpu.vector_store_idx %arg11[%add3A_420], %gather3A_409 : memref<2048xf32, #tpu.memory_space<vmem>>[vector<16xi32>], vector<16xf32>,
    %add3A_421 = arith.constant 2 : i32
    %add3A_422 = vector.broadcast %add3A_421 : i32 to vector<16xi32>
    %add3A_423 = arith.addi %mul3A_417, %add3A_422 : vector<16xi32>
    tpu.vector_store_idx %arg11[%add3A_423], %gather3A_410 : memref<2048xf32, #tpu.memory_space<vmem>>[vector<16xi32>], vector<16xf32>,
    %add3A_424 = arith.constant 3 : i32
    %add3A_425 = vector.broadcast %add3A_424 : i32 to vector<16xi32>
    %add3A_426 = arith.addi %mul3A_417, %add3A_425 : vector<16xi32>
    tpu.vector_store_idx %arg11[%add3A_426], %gather3A_411 : memref<2048xf32, #tpu.memory_space<vmem>>[vector<16xi32>], vector<16xf32>,
    %get3A_427 = arith.constant 288 : index
    %get3A_428 = tpu.vector_load %arg7[%get3A_427] {strides = array<i32>} : memref<512xi32, #tpu.memory_space<vmem>>, vector<16xi32>,
    %get3A_429 = arith.constant 288 : index
    %get3A_430 = tpu.vector_load %arg8[%get3A_429] {strides = array<i32>} : memref<512xi32, #tpu.memory_space<vmem>>, vector<16xi32>,
    %gather3A_431 = tpu.vector_load_idx %arg9[%get3A_428, %mul3A_11] : memref<3x2xf32, #tpu.memory_space<vmem>>[vector<16xi32>, vector<16xi32>], vector<16xf32>,
    %gather3A_432 = tpu.vector_load_idx %arg9[%get3A_428, %add3A_14] : memref<3x2xf32, #tpu.memory_space<vmem>>[vector<16xi32>, vector<16xi32>], vector<16xf32>,
    %gather3A_433 = tpu.vector_load_idx %arg10[%get3A_430, %mul3A_11] : memref<3x2xf32, #tpu.memory_space<vmem>>[vector<16xi32>, vector<16xi32>], vector<16xf32>,
    %gather3A_434 = tpu.vector_load_idx %arg10[%get3A_430, %add3A_14] : memref<3x2xf32, #tpu.memory_space<vmem>>[vector<16xi32>, vector<16xi32>], vector<16xf32>,
    %add3A_435 = arith.constant 288 : i32
    %add3A_436 = vector.broadcast %add3A_435 : i32 to vector<16xi32>
    %add3A_437 = arith.addi %add3A_436, %iota3A : vector<16xi32>
    %mul3A_438 = arith.constant 4 : i32
    %mul3A_439 = vector.broadcast %mul3A_438 : i32 to vector<16xi32>
    %mul3A_440 = arith.muli %add3A_437, %mul3A_439 : vector<16xi32>
    tpu.vector_store_idx %arg11[%mul3A_440], %gather3A_431 : memref<2048xf32, #tpu.memory_space<vmem>>[vector<16xi32>], vector<16xf32>,
    %add3A_441 = arith.constant 1 : i32
    %add3A_442 = vector.broadcast %add3A_441 : i32 to vector<16xi32>
    %add3A_443 = arith.addi %mul3A_440, %add3A_442 : vector<16xi32>
    tpu.vector_store_idx %arg11[%add3A_443], %gather3A_432 : memref<2048xf32, #tpu.memory_space<vmem>>[vector<16xi32>], vector<16xf32>,
    %add3A_444 = arith.constant 2 : i32
    %add3A_445 = vector.broadcast %add3A_444 : i32 to vector<16xi32>
    %add3A_446 = arith.addi %mul3A_440, %add3A_445 : vector<16xi32>
    tpu.vector_store_idx %arg11[%add3A_446], %gather3A_433 : memref<2048xf32, #tpu.memory_space<vmem>>[vector<16xi32>], vector<16xf32>,
    %add3A_447 = arith.constant 3 : i32
    %add3A_448 = vector.broadcast %add3A_447 : i32 to vector<16xi32>
    %add3A_449 = arith.addi %mul3A_440, %add3A_448 : vector<16xi32>
    tpu.vector_store_idx %arg11[%add3A_449], %gather3A_434 : memref<2048xf32, #tpu.memory_space<vmem>>[vector<16xi32>], vector<16xf32>,
    %get3A_450 = arith.constant 304 : index
    %get3A_451 = tpu.vector_load %arg7[%get3A_450] {strides = array<i32>} : memref<512xi32, #tpu.memory_space<vmem>>, vector<16xi32>,
    %get3A_452 = arith.constant 304 : index
    %get3A_453 = tpu.vector_load %arg8[%get3A_452] {strides = array<i32>} : memref<512xi32, #tpu.memory_space<vmem>>, vector<16xi32>,
    %gather3A_454 = tpu.vector_load_idx %arg9[%get3A_451, %mul3A_11] : memref<3x2xf32, #tpu.memory_space<vmem>>[vector<16xi32>, vector<16xi32>], vector<16xf32>,
    %gather3A_455 = tpu.vector_load_idx %arg9[%get3A_451, %add3A_14] : memref<3x2xf32, #tpu.memory_space<vmem>>[vector<16xi32>, vector<16xi32>], vector<16xf32>,
    %gather3A_456 = tpu.vector_load_idx %arg10[%get3A_453, %mul3A_11] : memref<3x2xf32, #tpu.memory_space<vmem>>[vector<16xi32>, vector<16xi32>], vector<16xf32>,
    %gather3A_457 = tpu.vector_load_idx %arg10[%get3A_453, %add3A_14] : memref<3x2xf32, #tpu.memory_space<vmem>>[vector<16xi32>, vector<16xi32>], vector<16xf32>,
    %add3A_458 = arith.constant 304 : i32
    %add3A_459 = vector.broadcast %add3A_458 : i32 to vector<16xi32>
    %add3A_460 = arith.addi %add3A_459, %iota3A : vector<16xi32>
    %mul3A_461 = arith.constant 4 : i32
    %mul3A_462 = vector.broadcast %mul3A_461 : i32 to vector<16xi32>
    %mul3A_463 = arith.muli %add3A_460, %mul3A_462 : vector<16xi32>
    tpu.vector_store_idx %arg11[%mul3A_463], %gather3A_454 : memref<2048xf32, #tpu.memory_space<vmem>>[vector<16xi32>], vector<16xf32>,
    %add3A_464 = arith.constant 1 : i32
    %add3A_465 = vector.broadcast %add3A_464 : i32 to vector<16xi32>
    %add3A_466 = arith.addi %mul3A_463, %add3A_465 : vector<16xi32>
    tpu.vector_store_idx %arg11[%add3A_466], %gather3A_455 : memref<2048xf32, #tpu.memory_space<vmem>>[vector<16xi32>], vector<16xf32>,
    %add3A_467 = arith.constant 2 : i32
    %add3A_468 = vector.broadcast %add3A_467 : i32 to vector<16xi32>
    %add3A_469 = arith.addi %mul3A_463, %add3A_468 : vector<16xi32>
    tpu.vector_store_idx %arg11[%add3A_469], %gather3A_456 : memref<2048xf32, #tpu.memory_space<vmem>>[vector<16xi32>], vector<16xf32>,
    %add3A_470 = arith.constant 3 : i32
    %add3A_471 = vector.broadcast %add3A_470 : i32 to vector<16xi32>
    %add3A_472 = arith.addi %mul3A_463, %add3A_471 : vector<16xi32>
    tpu.vector_store_idx %arg11[%add3A_472], %gather3A_457 : memref<2048xf32, #tpu.memory_space<vmem>>[vector<16xi32>], vector<16xf32>,
    %get3A_473 = arith.constant 320 : index
    %get3A_474 = tpu.vector_load %arg7[%get3A_473] {strides = array<i32>} : memref<512xi32, #tpu.memory_space<vmem>>, vector<16xi32>,
    %get3A_475 = arith.constant 320 : index
    %get3A_476 = tpu.vector_load %arg8[%get3A_475] {strides = array<i32>} : memref<512xi32, #tpu.memory_space<vmem>>, vector<16xi32>,
    %gather3A_477 = tpu.vector_load_idx %arg9[%get3A_474, %mul3A_11] : memref<3x2xf32, #tpu.memory_space<vmem>>[vector<16xi32>, vector<16xi32>], vector<16xf32>,
    %gather3A_478 = tpu.vector_load_idx %arg9[%get3A_474, %add3A_14] : memref<3x2xf32, #tpu.memory_space<vmem>>[vector<16xi32>, vector<16xi32>], vector<16xf32>,
    %gather3A_479 = tpu.vector_load_idx %arg10[%get3A_476, %mul3A_11] : memref<3x2xf32, #tpu.memory_space<vmem>>[vector<16xi32>, vector<16xi32>], vector<16xf32>,
    %gather3A_480 = tpu.vector_load_idx %arg10[%get3A_476, %add3A_14] : memref<3x2xf32, #tpu.memory_space<vmem>>[vector<16xi32>, vector<16xi32>], vector<16xf32>,
    %add3A_481 = arith.constant 320 : i32
    %add3A_482 = vector.broadcast %add3A_481 : i32 to vector<16xi32>
    %add3A_483 = arith.addi %add3A_482, %iota3A : vector<16xi32>
    %mul3A_484 = arith.constant 4 : i32
    %mul3A_485 = vector.broadcast %mul3A_484 : i32 to vector<16xi32>
    %mul3A_486 = arith.muli %add3A_483, %mul3A_485 : vector<16xi32>
    tpu.vector_store_idx %arg11[%mul3A_486], %gather3A_477 : memref<2048xf32, #tpu.memory_space<vmem>>[vector<16xi32>], vector<16xf32>,
    %add3A_487 = arith.constant 1 : i32
    %add3A_488 = vector.broadcast %add3A_487 : i32 to vector<16xi32>
    %add3A_489 = arith.addi %mul3A_486, %add3A_488 : vector<16xi32>
    tpu.vector_store_idx %arg11[%add3A_489], %gather3A_478 : memref<2048xf32, #tpu.memory_space<vmem>>[vector<16xi32>], vector<16xf32>,
    %add3A_490 = arith.constant 2 : i32
    %add3A_491 = vector.broadcast %add3A_490 : i32 to vector<16xi32>
    %add3A_492 = arith.addi %mul3A_486, %add3A_491 : vector<16xi32>
    tpu.vector_store_idx %arg11[%add3A_492], %gather3A_479 : memref<2048xf32, #tpu.memory_space<vmem>>[vector<16xi32>], vector<16xf32>,
    %add3A_493 = arith.constant 3 : i32
    %add3A_494 = vector.broadcast %add3A_493 : i32 to vector<16xi32>
    %add3A_495 = arith.addi %mul3A_486, %add3A_494 : vector<16xi32>
    tpu.vector_store_idx %arg11[%add3A_495], %gather3A_480 : memref<2048xf32, #tpu.memory_space<vmem>>[vector<16xi32>], vector<16xf32>,
    %get3A_496 = arith.constant 336 : index
    %get3A_497 = tpu.vector_load %arg7[%get3A_496] {strides = array<i32>} : memref<512xi32, #tpu.memory_space<vmem>>, vector<16xi32>,
    %get3A_498 = arith.constant 336 : index
    %get3A_499 = tpu.vector_load %arg8[%get3A_498] {strides = array<i32>} : memref<512xi32, #tpu.memory_space<vmem>>, vector<16xi32>,
    %gather3A_500 = tpu.vector_load_idx %arg9[%get3A_497, %mul3A_11] : memref<3x2xf32, #tpu.memory_space<vmem>>[vector<16xi32>, vector<16xi32>], vector<16xf32>,
    %gather3A_501 = tpu.vector_load_idx %arg9[%get3A_497, %add3A_14] : memref<3x2xf32, #tpu.memory_space<vmem>>[vector<16xi32>, vector<16xi32>], vector<16xf32>,
    %gather3A_502 = tpu.vector_load_idx %arg10[%get3A_499, %mul3A_11] : memref<3x2xf32, #tpu.memory_space<vmem>>[vector<16xi32>, vector<16xi32>], vector<16xf32>,
    %gather3A_503 = tpu.vector_load_idx %arg10[%get3A_499, %add3A_14] : memref<3x2xf32, #tpu.memory_space<vmem>>[vector<16xi32>, vector<16xi32>], vector<16xf32>,
    %add3A_504 = arith.constant 336 : i32
    %add3A_505 = vector.broadcast %add3A_504 : i32 to vector<16xi32>
    %add3A_506 = arith.addi %add3A_505, %iota3A : vector<16xi32>
    %mul3A_507 = arith.constant 4 : i32
    %mul3A_508 = vector.broadcast %mul3A_507 : i32 to vector<16xi32>
    %mul3A_509 = arith.muli %add3A_506, %mul3A_508 : vector<16xi32>
    tpu.vector_store_idx %arg11[%mul3A_509], %gather3A_500 : memref<2048xf32, #tpu.memory_space<vmem>>[vector<16xi32>], vector<16xf32>,
    %add3A_510 = arith.constant 1 : i32
    %add3A_511 = vector.broadcast %add3A_510 : i32 to vector<16xi32>
    %add3A_512 = arith.addi %mul3A_509, %add3A_511 : vector<16xi32>
    tpu.vector_store_idx %arg11[%add3A_512], %gather3A_501 : memref<2048xf32, #tpu.memory_space<vmem>>[vector<16xi32>], vector<16xf32>,
    %add3A_513 = arith.constant 2 : i32
    %add3A_514 = vector.broadcast %add3A_513 : i32 to vector<16xi32>
    %add3A_515 = arith.addi %mul3A_509, %add3A_514 : vector<16xi32>
    tpu.vector_store_idx %arg11[%add3A_515], %gather3A_502 : memref<2048xf32, #tpu.memory_space<vmem>>[vector<16xi32>], vector<16xf32>,
    %add3A_516 = arith.constant 3 : i32
    %add3A_517 = vector.broadcast %add3A_516 : i32 to vector<16xi32>
    %add3A_518 = arith.addi %mul3A_509, %add3A_517 : vector<16xi32>
    tpu.vector_store_idx %arg11[%add3A_518], %gather3A_503 : memref<2048xf32, #tpu.memory_space<vmem>>[vector<16xi32>], vector<16xf32>,
    %get3A_519 = arith.constant 352 : index
    %get3A_520 = tpu.vector_load %arg7[%get3A_519] {strides = array<i32>} : memref<512xi32, #tpu.memory_space<vmem>>, vector<16xi32>,
    %get3A_521 = arith.constant 352 : index
    %get3A_522 = tpu.vector_load %arg8[%get3A_521] {strides = array<i32>} : memref<512xi32, #tpu.memory_space<vmem>>, vector<16xi32>,
    %gather3A_523 = tpu.vector_load_idx %arg9[%get3A_520, %mul3A_11] : memref<3x2xf32, #tpu.memory_space<vmem>>[vector<16xi32>, vector<16xi32>], vector<16xf32>,
    %gather3A_524 = tpu.vector_load_idx %arg9[%get3A_520, %add3A_14] : memref<3x2xf32, #tpu.memory_space<vmem>>[vector<16xi32>, vector<16xi32>], vector<16xf32>,
    %gather3A_525 = tpu.vector_load_idx %arg10[%get3A_522, %mul3A_11] : memref<3x2xf32, #tpu.memory_space<vmem>>[vector<16xi32>, vector<16xi32>], vector<16xf32>,
    %gather3A_526 = tpu.vector_load_idx %arg10[%get3A_522, %add3A_14] : memref<3x2xf32, #tpu.memory_space<vmem>>[vector<16xi32>, vector<16xi32>], vector<16xf32>,
    %add3A_527 = arith.constant 352 : i32
    %add3A_528 = vector.broadcast %add3A_527 : i32 to vector<16xi32>
    %add3A_529 = arith.addi %add3A_528, %iota3A : vector<16xi32>
    %mul3A_530 = arith.constant 4 : i32
    %mul3A_531 = vector.broadcast %mul3A_530 : i32 to vector<16xi32>
    %mul3A_532 = arith.muli %add3A_529, %mul3A_531 : vector<16xi32>
    tpu.vector_store_idx %arg11[%mul3A_532], %gather3A_523 : memref<2048xf32, #tpu.memory_space<vmem>>[vector<16xi32>], vector<16xf32>,
    %add3A_533 = arith.constant 1 : i32
    %add3A_534 = vector.broadcast %add3A_533 : i32 to vector<16xi32>
    %add3A_535 = arith.addi %mul3A_532, %add3A_534 : vector<16xi32>
    tpu.vector_store_idx %arg11[%add3A_535], %gather3A_524 : memref<2048xf32, #tpu.memory_space<vmem>>[vector<16xi32>], vector<16xf32>,
    %add3A_536 = arith.constant 2 : i32
    %add3A_537 = vector.broadcast %add3A_536 : i32 to vector<16xi32>
    %add3A_538 = arith.addi %mul3A_532, %add3A_537 : vector<16xi32>
    tpu.vector_store_idx %arg11[%add3A_538], %gather3A_525 : memref<2048xf32, #tpu.memory_space<vmem>>[vector<16xi32>], vector<16xf32>,
    %add3A_539 = arith.constant 3 : i32
    %add3A_540 = vector.broadcast %add3A_539 : i32 to vector<16xi32>
    %add3A_541 = arith.addi %mul3A_532, %add3A_540 : vector<16xi32>
    tpu.vector_store_idx %arg11[%add3A_541], %gather3A_526 : memref<2048xf32, #tpu.memory_space<vmem>>[vector<16xi32>], vector<16xf32>,
    %get3A_542 = arith.constant 368 : index
    %get3A_543 = tpu.vector_load %arg7[%get3A_542] {strides = array<i32>} : memref<512xi32, #tpu.memory_space<vmem>>, vector<16xi32>,
    %get3A_544 = arith.constant 368 : index
    %get3A_545 = tpu.vector_load %arg8[%get3A_544] {strides = array<i32>} : memref<512xi32, #tpu.memory_space<vmem>>, vector<16xi32>,
    %gather3A_546 = tpu.vector_load_idx %arg9[%get3A_543, %mul3A_11] : memref<3x2xf32, #tpu.memory_space<vmem>>[vector<16xi32>, vector<16xi32>], vector<16xf32>,
    %gather3A_547 = tpu.vector_load_idx %arg9[%get3A_543, %add3A_14] : memref<3x2xf32, #tpu.memory_space<vmem>>[vector<16xi32>, vector<16xi32>], vector<16xf32>,
    %gather3A_548 = tpu.vector_load_idx %arg10[%get3A_545, %mul3A_11] : memref<3x2xf32, #tpu.memory_space<vmem>>[vector<16xi32>, vector<16xi32>], vector<16xf32>,
    %gather3A_549 = tpu.vector_load_idx %arg10[%get3A_545, %add3A_14] : memref<3x2xf32, #tpu.memory_space<vmem>>[vector<16xi32>, vector<16xi32>], vector<16xf32>,
    %add3A_550 = arith.constant 368 : i32
    %add3A_551 = vector.broadcast %add3A_550 : i32 to vector<16xi32>
    %add3A_552 = arith.addi %add3A_551, %iota3A : vector<16xi32>
    %mul3A_553 = arith.constant 4 : i32
    %mul3A_554 = vector.broadcast %mul3A_553 : i32 to vector<16xi32>
    %mul3A_555 = arith.muli %add3A_552, %mul3A_554 : vector<16xi32>
    tpu.vector_store_idx %arg11[%mul3A_555], %gather3A_546 : memref<2048xf32, #tpu.memory_space<vmem>>[vector<16xi32>], vector<16xf32>,
    %add3A_556 = arith.constant 1 : i32
    %add3A_557 = vector.broadcast %add3A_556 : i32 to vector<16xi32>
    %add3A_558 = arith.addi %mul3A_555, %add3A_557 : vector<16xi32>
    tpu.vector_store_idx %arg11[%add3A_558], %gather3A_547 : memref<2048xf32, #tpu.memory_space<vmem>>[vector<16xi32>], vector<16xf32>,
    %add3A_559 = arith.constant 2 : i32
    %add3A_560 = vector.broadcast %add3A_559 : i32 to vector<16xi32>
    %add3A_561 = arith.addi %mul3A_555, %add3A_560 : vector<16xi32>
    tpu.vector_store_idx %arg11[%add3A_561], %gather3A_548 : memref<2048xf32, #tpu.memory_space<vmem>>[vector<16xi32>], vector<16xf32>,
    %add3A_562 = arith.constant 3 : i32
    %add3A_563 = vector.broadcast %add3A_562 : i32 to vector<16xi32>
    %add3A_564 = arith.addi %mul3A_555, %add3A_563 : vector<16xi32>
    tpu.vector_store_idx %arg11[%add3A_564], %gather3A_549 : memref<2048xf32, #tpu.memory_space<vmem>>[vector<16xi32>], vector<16xf32>,
    %get3A_565 = arith.constant 384 : index
    %get3A_566 = tpu.vector_load %arg7[%get3A_565] {strides = array<i32>} : memref<512xi32, #tpu.memory_space<vmem>>, vector<16xi32>,
    %get3A_567 = arith.constant 384 : index
    %get3A_568 = tpu.vector_load %arg8[%get3A_567] {strides = array<i32>} : memref<512xi32, #tpu.memory_space<vmem>>, vector<16xi32>,
    %gather3A_569 = tpu.vector_load_idx %arg9[%get3A_566, %mul3A_11] : memref<3x2xf32, #tpu.memory_space<vmem>>[vector<16xi32>, vector<16xi32>], vector<16xf32>,
    %gather3A_570 = tpu.vector_load_idx %arg9[%get3A_566, %add3A_14] : memref<3x2xf32, #tpu.memory_space<vmem>>[vector<16xi32>, vector<16xi32>], vector<16xf32>,
    %gather3A_571 = tpu.vector_load_idx %arg10[%get3A_568, %mul3A_11] : memref<3x2xf32, #tpu.memory_space<vmem>>[vector<16xi32>, vector<16xi32>], vector<16xf32>,
    %gather3A_572 = tpu.vector_load_idx %arg10[%get3A_568, %add3A_14] : memref<3x2xf32, #tpu.memory_space<vmem>>[vector<16xi32>, vector<16xi32>], vector<16xf32>,
    %add3A_573 = arith.constant 384 : i32
    %add3A_574 = vector.broadcast %add3A_573 : i32 to vector<16xi32>
    %add3A_575 = arith.addi %add3A_574, %iota3A : vector<16xi32>
    %mul3A_576 = arith.constant 4 : i32
    %mul3A_577 = vector.broadcast %mul3A_576 : i32 to vector<16xi32>
    %mul3A_578 = arith.muli %add3A_575, %mul3A_577 : vector<16xi32>
    tpu.vector_store_idx %arg11[%mul3A_578], %gather3A_569 : memref<2048xf32, #tpu.memory_space<vmem>>[vector<16xi32>], vector<16xf32>,
    %add3A_579 = arith.constant 1 : i32
    %add3A_580 = vector.broadcast %add3A_579 : i32 to vector<16xi32>
    %add3A_581 = arith.addi %mul3A_578, %add3A_580 : vector<16xi32>
    tpu.vector_store_idx %arg11[%add3A_581], %gather3A_570 : memref<2048xf32, #tpu.memory_space<vmem>>[vector<16xi32>], vector<16xf32>,
    %add3A_582 = arith.constant 2 : i32
    %add3A_583 = vector.broadcast %add3A_582 : i32 to vector<16xi32>
    %add3A_584 = arith.addi %mul3A_578, %add3A_583 : vector<16xi32>
    tpu.vector_store_idx %arg11[%add3A_584], %gather3A_571 : memref<2048xf32, #tpu.memory_space<vmem>>[vector<16xi32>], vector<16xf32>,
    %add3A_585 = arith.constant 3 : i32
    %add3A_586 = vector.broadcast %add3A_585 : i32 to vector<16xi32>
    %add3A_587 = arith.addi %mul3A_578, %add3A_586 : vector<16xi32>
    tpu.vector_store_idx %arg11[%add3A_587], %gather3A_572 : memref<2048xf32, #tpu.memory_space<vmem>>[vector<16xi32>], vector<16xf32>,
    %get3A_588 = arith.constant 400 : index
    %get3A_589 = tpu.vector_load %arg7[%get3A_588] {strides = array<i32>} : memref<512xi32, #tpu.memory_space<vmem>>, vector<16xi32>,
    %get3A_590 = arith.constant 400 : index
    %get3A_591 = tpu.vector_load %arg8[%get3A_590] {strides = array<i32>} : memref<512xi32, #tpu.memory_space<vmem>>, vector<16xi32>,
    %gather3A_592 = tpu.vector_load_idx %arg9[%get3A_589, %mul3A_11] : memref<3x2xf32, #tpu.memory_space<vmem>>[vector<16xi32>, vector<16xi32>], vector<16xf32>,
    %gather3A_593 = tpu.vector_load_idx %arg9[%get3A_589, %add3A_14] : memref<3x2xf32, #tpu.memory_space<vmem>>[vector<16xi32>, vector<16xi32>], vector<16xf32>,
    %gather3A_594 = tpu.vector_load_idx %arg10[%get3A_591, %mul3A_11] : memref<3x2xf32, #tpu.memory_space<vmem>>[vector<16xi32>, vector<16xi32>], vector<16xf32>,
    %gather3A_595 = tpu.vector_load_idx %arg10[%get3A_591, %add3A_14] : memref<3x2xf32, #tpu.memory_space<vmem>>[vector<16xi32>, vector<16xi32>], vector<16xf32>,
    %add3A_596 = arith.constant 400 : i32
    %add3A_597 = vector.broadcast %add3A_596 : i32 to vector<16xi32>
    %add3A_598 = arith.addi %add3A_597, %iota3A : vector<16xi32>
    %mul3A_599 = arith.constant 4 : i32
    %mul3A_600 = vector.broadcast %mul3A_599 : i32 to vector<16xi32>
    %mul3A_601 = arith.muli %add3A_598, %mul3A_600 : vector<16xi32>
    tpu.vector_store_idx %arg11[%mul3A_601], %gather3A_592 : memref<2048xf32, #tpu.memory_space<vmem>>[vector<16xi32>], vector<16xf32>,
    %add3A_602 = arith.constant 1 : i32
    %add3A_603 = vector.broadcast %add3A_602 : i32 to vector<16xi32>
    %add3A_604 = arith.addi %mul3A_601, %add3A_603 : vector<16xi32>
    tpu.vector_store_idx %arg11[%add3A_604], %gather3A_593 : memref<2048xf32, #tpu.memory_space<vmem>>[vector<16xi32>], vector<16xf32>,
    %add3A_605 = arith.constant 2 : i32
    %add3A_606 = vector.broadcast %add3A_605 : i32 to vector<16xi32>
    %add3A_607 = arith.addi %mul3A_601, %add3A_606 : vector<16xi32>
    tpu.vector_store_idx %arg11[%add3A_607], %gather3A_594 : memref<2048xf32, #tpu.memory_space<vmem>>[vector<16xi32>], vector<16xf32>,
    %add3A_608 = arith.constant 3 : i32
    %add3A_609 = vector.broadcast %add3A_608 : i32 to vector<16xi32>
    %add3A_610 = arith.addi %mul3A_601, %add3A_609 : vector<16xi32>
    tpu.vector_store_idx %arg11[%add3A_610], %gather3A_595 : memref<2048xf32, #tpu.memory_space<vmem>>[vector<16xi32>], vector<16xf32>,
    %get3A_611 = arith.constant 416 : index
    %get3A_612 = tpu.vector_load %arg7[%get3A_611] {strides = array<i32>} : memref<512xi32, #tpu.memory_space<vmem>>, vector<16xi32>,
    %get3A_613 = arith.constant 416 : index
    %get3A_614 = tpu.vector_load %arg8[%get3A_613] {strides = array<i32>} : memref<512xi32, #tpu.memory_space<vmem>>, vector<16xi32>,
    %gather3A_615 = tpu.vector_load_idx %arg9[%get3A_612, %mul3A_11] : memref<3x2xf32, #tpu.memory_space<vmem>>[vector<16xi32>, vector<16xi32>], vector<16xf32>,
    %gather3A_616 = tpu.vector_load_idx %arg9[%get3A_612, %add3A_14] : memref<3x2xf32, #tpu.memory_space<vmem>>[vector<16xi32>, vector<16xi32>], vector<16xf32>,
    %gather3A_617 = tpu.vector_load_idx %arg10[%get3A_614, %mul3A_11] : memref<3x2xf32, #tpu.memory_space<vmem>>[vector<16xi32>, vector<16xi32>], vector<16xf32>,
    %gather3A_618 = tpu.vector_load_idx %arg10[%get3A_614, %add3A_14] : memref<3x2xf32, #tpu.memory_space<vmem>>[vector<16xi32>, vector<16xi32>], vector<16xf32>,
    %add3A_619 = arith.constant 416 : i32
    %add3A_620 = vector.broadcast %add3A_619 : i32 to vector<16xi32>
    %add3A_621 = arith.addi %add3A_620, %iota3A : vector<16xi32>
    %mul3A_622 = arith.constant 4 : i32
    %mul3A_623 = vector.broadcast %mul3A_622 : i32 to vector<16xi32>
    %mul3A_624 = arith.muli %add3A_621, %mul3A_623 : vector<16xi32>
    tpu.vector_store_idx %arg11[%mul3A_624], %gather3A_615 : memref<2048xf32, #tpu.memory_space<vmem>>[vector<16xi32>], vector<16xf32>,
    %add3A_625 = arith.constant 1 : i32
    %add3A_626 = vector.broadcast %add3A_625 : i32 to vector<16xi32>
    %add3A_627 = arith.addi %mul3A_624, %add3A_626 : vector<16xi32>
    tpu.vector_store_idx %arg11[%add3A_627], %gather3A_616 : memref<2048xf32, #tpu.memory_space<vmem>>[vector<16xi32>], vector<16xf32>,
    %add3A_628 = arith.constant 2 : i32
    %add3A_629 = vector.broadcast %add3A_628 : i32 to vector<16xi32>
    %add3A_630 = arith.addi %mul3A_624, %add3A_629 : vector<16xi32>
    tpu.vector_store_idx %arg11[%add3A_630], %gather3A_617 : memref<2048xf32, #tpu.memory_space<vmem>>[vector<16xi32>], vector<16xf32>,
    %add3A_631 = arith.constant 3 : i32
    %add3A_632 = vector.broadcast %add3A_631 : i32 to vector<16xi32>
    %add3A_633 = arith.addi %mul3A_624, %add3A_632 : vector<16xi32>
    tpu.vector_store_idx %arg11[%add3A_633], %gather3A_618 : memref<2048xf32, #tpu.memory_space<vmem>>[vector<16xi32>], vector<16xf32>,
    %get3A_634 = arith.constant 432 : index
    %get3A_635 = tpu.vector_load %arg7[%get3A_634] {strides = array<i32>} : memref<512xi32, #tpu.memory_space<vmem>>, vector<16xi32>,
    %get3A_636 = arith.constant 432 : index
    %get3A_637 = tpu.vector_load %arg8[%get3A_636] {strides = array<i32>} : memref<512xi32, #tpu.memory_space<vmem>>, vector<16xi32>,
    %gather3A_638 = tpu.vector_load_idx %arg9[%get3A_635, %mul3A_11] : memref<3x2xf32, #tpu.memory_space<vmem>>[vector<16xi32>, vector<16xi32>], vector<16xf32>,
    %gather3A_639 = tpu.vector_load_idx %arg9[%get3A_635, %add3A_14] : memref<3x2xf32, #tpu.memory_space<vmem>>[vector<16xi32>, vector<16xi32>], vector<16xf32>,
    %gather3A_640 = tpu.vector_load_idx %arg10[%get3A_637, %mul3A_11] : memref<3x2xf32, #tpu.memory_space<vmem>>[vector<16xi32>, vector<16xi32>], vector<16xf32>,
    %gather3A_641 = tpu.vector_load_idx %arg10[%get3A_637, %add3A_14] : memref<3x2xf32, #tpu.memory_space<vmem>>[vector<16xi32>, vector<16xi32>], vector<16xf32>,
    %add3A_642 = arith.constant 432 : i32
    %add3A_643 = vector.broadcast %add3A_642 : i32 to vector<16xi32>
    %add3A_644 = arith.addi %add3A_643, %iota3A : vector<16xi32>
    %mul3A_645 = arith.constant 4 : i32
    %mul3A_646 = vector.broadcast %mul3A_645 : i32 to vector<16xi32>
    %mul3A_647 = arith.muli %add3A_644, %mul3A_646 : vector<16xi32>
    tpu.vector_store_idx %arg11[%mul3A_647], %gather3A_638 : memref<2048xf32, #tpu.memory_space<vmem>>[vector<16xi32>], vector<16xf32>,
    %add3A_648 = arith.constant 1 : i32
    %add3A_649 = vector.broadcast %add3A_648 : i32 to vector<16xi32>
    %add3A_650 = arith.addi %mul3A_647, %add3A_649 : vector<16xi32>
    tpu.vector_store_idx %arg11[%add3A_650], %gather3A_639 : memref<2048xf32, #tpu.memory_space<vmem>>[vector<16xi32>], vector<16xf32>,
    %add3A_651 = arith.constant 2 : i32
    %add3A_652 = vector.broadcast %add3A_651 : i32 to vector<16xi32>
    %add3A_653 = arith.addi %mul3A_647, %add3A_652 : vector<16xi32>
    tpu.vector_store_idx %arg11[%add3A_653], %gather3A_640 : memref<2048xf32, #tpu.memory_space<vmem>>[vector<16xi32>], vector<16xf32>,
    %add3A_654 = arith.constant 3 : i32
    %add3A_655 = vector.broadcast %add3A_654 : i32 to vector<16xi32>
    %add3A_656 = arith.addi %mul3A_647, %add3A_655 : vector<16xi32>
    tpu.vector_store_idx %arg11[%add3A_656], %gather3A_641 : memref<2048xf32, #tpu.memory_space<vmem>>[vector<16xi32>], vector<16xf32>,
    %get3A_657 = arith.constant 448 : index
    %get3A_658 = tpu.vector_load %arg7[%get3A_657] {strides = array<i32>} : memref<512xi32, #tpu.memory_space<vmem>>, vector<16xi32>,
    %get3A_659 = arith.constant 448 : index
    %get3A_660 = tpu.vector_load %arg8[%get3A_659] {strides = array<i32>} : memref<512xi32, #tpu.memory_space<vmem>>, vector<16xi32>,
    %gather3A_661 = tpu.vector_load_idx %arg9[%get3A_658, %mul3A_11] : memref<3x2xf32, #tpu.memory_space<vmem>>[vector<16xi32>, vector<16xi32>], vector<16xf32>,
    %gather3A_662 = tpu.vector_load_idx %arg9[%get3A_658, %add3A_14] : memref<3x2xf32, #tpu.memory_space<vmem>>[vector<16xi32>, vector<16xi32>], vector<16xf32>,
    %gather3A_663 = tpu.vector_load_idx %arg10[%get3A_660, %mul3A_11] : memref<3x2xf32, #tpu.memory_space<vmem>>[vector<16xi32>, vector<16xi32>], vector<16xf32>,
    %gather3A_664 = tpu.vector_load_idx %arg10[%get3A_660, %add3A_14] : memref<3x2xf32, #tpu.memory_space<vmem>>[vector<16xi32>, vector<16xi32>], vector<16xf32>,
    %add3A_665 = arith.constant 448 : i32
    %add3A_666 = vector.broadcast %add3A_665 : i32 to vector<16xi32>
    %add3A_667 = arith.addi %add3A_666, %iota3A : vector<16xi32>
    %mul3A_668 = arith.constant 4 : i32
    %mul3A_669 = vector.broadcast %mul3A_668 : i32 to vector<16xi32>
    %mul3A_670 = arith.muli %add3A_667, %mul3A_669 : vector<16xi32>
    tpu.vector_store_idx %arg11[%mul3A_670], %gather3A_661 : memref<2048xf32, #tpu.memory_space<vmem>>[vector<16xi32>], vector<16xf32>,
    %add3A_671 = arith.constant 1 : i32
    %add3A_672 = vector.broadcast %add3A_671 : i32 to vector<16xi32>
    %add3A_673 = arith.addi %mul3A_670, %add3A_672 : vector<16xi32>
    tpu.vector_store_idx %arg11[%add3A_673], %gather3A_662 : memref<2048xf32, #tpu.memory_space<vmem>>[vector<16xi32>], vector<16xf32>,
    %add3A_674 = arith.constant 2 : i32
    %add3A_675 = vector.broadcast %add3A_674 : i32 to vector<16xi32>
    %add3A_676 = arith.addi %mul3A_670, %add3A_675 : vector<16xi32>
    tpu.vector_store_idx %arg11[%add3A_676], %gather3A_663 : memref<2048xf32, #tpu.memory_space<vmem>>[vector<16xi32>], vector<16xf32>,
    %add3A_677 = arith.constant 3 : i32
    %add3A_678 = vector.broadcast %add3A_677 : i32 to vector<16xi32>
    %add3A_679 = arith.addi %mul3A_670, %add3A_678 : vector<16xi32>
    tpu.vector_store_idx %arg11[%add3A_679], %gather3A_664 : memref<2048xf32, #tpu.memory_space<vmem>>[vector<16xi32>], vector<16xf32>,
    %get3A_680 = arith.constant 464 : index
    %get3A_681 = tpu.vector_load %arg7[%get3A_680] {strides = array<i32>} : memref<512xi32, #tpu.memory_space<vmem>>, vector<16xi32>,
    %get3A_682 = arith.constant 464 : index
    %get3A_683 = tpu.vector_load %arg8[%get3A_682] {strides = array<i32>} : memref<512xi32, #tpu.memory_space<vmem>>, vector<16xi32>,
    %gather3A_684 = tpu.vector_load_idx %arg9[%get3A_681, %mul3A_11] : memref<3x2xf32, #tpu.memory_space<vmem>>[vector<16xi32>, vector<16xi32>], vector<16xf32>,
    %gather3A_685 = tpu.vector_load_idx %arg9[%get3A_681, %add3A_14] : memref<3x2xf32, #tpu.memory_space<vmem>>[vector<16xi32>, vector<16xi32>], vector<16xf32>,
    %gather3A_686 = tpu.vector_load_idx %arg10[%get3A_683, %mul3A_11] : memref<3x2xf32, #tpu.memory_space<vmem>>[vector<16xi32>, vector<16xi32>], vector<16xf32>,
    %gather3A_687 = tpu.vector_load_idx %arg10[%get3A_683, %add3A_14] : memref<3x2xf32, #tpu.memory_space<vmem>>[vector<16xi32>, vector<16xi32>], vector<16xf32>,
    %add3A_688 = arith.constant 464 : i32
    %add3A_689 = vector.broadcast %add3A_688 : i32 to vector<16xi32>
    %add3A_690 = arith.addi %add3A_689, %iota3A : vector<16xi32>
    %mul3A_691 = arith.constant 4 : i32
    %mul3A_692 = vector.broadcast %mul3A_691 : i32 to vector<16xi32>
    %mul3A_693 = arith.muli %add3A_690, %mul3A_692 : vector<16xi32>
    tpu.vector_store_idx %arg11[%mul3A_693], %gather3A_684 : memref<2048xf32, #tpu.memory_space<vmem>>[vector<16xi32>], vector<16xf32>,
    %add3A_694 = arith.constant 1 : i32
    %add3A_695 = vector.broadcast %add3A_694 : i32 to vector<16xi32>
    %add3A_696 = arith.addi %mul3A_693, %add3A_695 : vector<16xi32>
    tpu.vector_store_idx %arg11[%add3A_696], %gather3A_685 : memref<2048xf32, #tpu.memory_space<vmem>>[vector<16xi32>], vector<16xf32>,
    %add3A_697 = arith.constant 2 : i32
    %add3A_698 = vector.broadcast %add3A_697 : i32 to vector<16xi32>
    %add3A_699 = arith.addi %mul3A_693, %add3A_698 : vector<16xi32>
    tpu.vector_store_idx %arg11[%add3A_699], %gather3A_686 : memref<2048xf32, #tpu.memory_space<vmem>>[vector<16xi32>], vector<16xf32>,
    %add3A_700 = arith.constant 3 : i32
    %add3A_701 = vector.broadcast %add3A_700 : i32 to vector<16xi32>
    %add3A_702 = arith.addi %mul3A_693, %add3A_701 : vector<16xi32>
    tpu.vector_store_idx %arg11[%add3A_702], %gather3A_687 : memref<2048xf32, #tpu.memory_space<vmem>>[vector<16xi32>], vector<16xf32>,
    %get3A_703 = arith.constant 480 : index
    %get3A_704 = tpu.vector_load %arg7[%get3A_703] {strides = array<i32>} : memref<512xi32, #tpu.memory_space<vmem>>, vector<16xi32>,
    %get3A_705 = arith.constant 480 : index
    %get3A_706 = tpu.vector_load %arg8[%get3A_705] {strides = array<i32>} : memref<512xi32, #tpu.memory_space<vmem>>, vector<16xi32>,
    %gather3A_707 = tpu.vector_load_idx %arg9[%get3A_704, %mul3A_11] : memref<3x2xf32, #tpu.memory_space<vmem>>[vector<16xi32>, vector<16xi32>], vector<16xf32>,
    %gather3A_708 = tpu.vector_load_idx %arg9[%get3A_704, %add3A_14] : memref<3x2xf32, #tpu.memory_space<vmem>>[vector<16xi32>, vector<16xi32>], vector<16xf32>,
    %gather3A_709 = tpu.vector_load_idx %arg10[%get3A_706, %mul3A_11] : memref<3x2xf32, #tpu.memory_space<vmem>>[vector<16xi32>, vector<16xi32>], vector<16xf32>,
    %gather3A_710 = tpu.vector_load_idx %arg10[%get3A_706, %add3A_14] : memref<3x2xf32, #tpu.memory_space<vmem>>[vector<16xi32>, vector<16xi32>], vector<16xf32>,
    %add3A_711 = arith.constant 480 : i32
    %add3A_712 = vector.broadcast %add3A_711 : i32 to vector<16xi32>
    %add3A_713 = arith.addi %add3A_712, %iota3A : vector<16xi32>
    %mul3A_714 = arith.constant 4 : i32
    %mul3A_715 = vector.broadcast %mul3A_714 : i32 to vector<16xi32>
    %mul3A_716 = arith.muli %add3A_713, %mul3A_715 : vector<16xi32>
    tpu.vector_store_idx %arg11[%mul3A_716], %gather3A_707 : memref<2048xf32, #tpu.memory_space<vmem>>[vector<16xi32>], vector<16xf32>,
    %add3A_717 = arith.constant 1 : i32
    %add3A_718 = vector.broadcast %add3A_717 : i32 to vector<16xi32>
    %add3A_719 = arith.addi %mul3A_716, %add3A_718 : vector<16xi32>
    tpu.vector_store_idx %arg11[%add3A_719], %gather3A_708 : memref<2048xf32, #tpu.memory_space<vmem>>[vector<16xi32>], vector<16xf32>,
    %add3A_720 = arith.constant 2 : i32
    %add3A_721 = vector.broadcast %add3A_720 : i32 to vector<16xi32>
    %add3A_722 = arith.addi %mul3A_716, %add3A_721 : vector<16xi32>
    tpu.vector_store_idx %arg11[%add3A_722], %gather3A_709 : memref<2048xf32, #tpu.memory_space<vmem>>[vector<16xi32>], vector<16xf32>,
    %add3A_723 = arith.constant 3 : i32
    %add3A_724 = vector.broadcast %add3A_723 : i32 to vector<16xi32>
    %add3A_725 = arith.addi %mul3A_716, %add3A_724 : vector<16xi32>
    tpu.vector_store_idx %arg11[%add3A_725], %gather3A_710 : memref<2048xf32, #tpu.memory_space<vmem>>[vector<16xi32>], vector<16xf32>,
    %get3A_726 = arith.constant 496 : index
    %get3A_727 = tpu.vector_load %arg7[%get3A_726] {strides = array<i32>} : memref<512xi32, #tpu.memory_space<vmem>>, vector<16xi32>,
    %get3A_728 = arith.constant 496 : index
    %get3A_729 = tpu.vector_load %arg8[%get3A_728] {strides = array<i32>} : memref<512xi32, #tpu.memory_space<vmem>>, vector<16xi32>,
    %gather3A_730 = tpu.vector_load_idx %arg9[%get3A_727, %mul3A_11] : memref<3x2xf32, #tpu.memory_space<vmem>>[vector<16xi32>, vector<16xi32>], vector<16xf32>,
    %gather3A_731 = tpu.vector_load_idx %arg9[%get3A_727, %add3A_14] : memref<3x2xf32, #tpu.memory_space<vmem>>[vector<16xi32>, vector<16xi32>], vector<16xf32>,
    %gather3A_732 = tpu.vector_load_idx %arg10[%get3A_729, %mul3A_11] : memref<3x2xf32, #tpu.memory_space<vmem>>[vector<16xi32>, vector<16xi32>], vector<16xf32>,
    %gather3A_733 = tpu.vector_load_idx %arg10[%get3A_729, %add3A_14] : memref<3x2xf32, #tpu.memory_space<vmem>>[vector<16xi32>, vector<16xi32>], vector<16xf32>,
    %add3A_734 = arith.constant 496 : i32
    %add3A_735 = vector.broadcast %add3A_734 : i32 to vector<16xi32>
    %add3A_736 = arith.addi %add3A_735, %iota3A : vector<16xi32>
    %mul3A_737 = arith.constant 4 : i32
    %mul3A_738 = vector.broadcast %mul3A_737 : i32 to vector<16xi32>
    %mul3A_739 = arith.muli %add3A_736, %mul3A_738 : vector<16xi32>
    tpu.vector_store_idx %arg11[%mul3A_739], %gather3A_730 : memref<2048xf32, #tpu.memory_space<vmem>>[vector<16xi32>], vector<16xf32>,
    %add3A_740 = arith.constant 1 : i32
    %add3A_741 = vector.broadcast %add3A_740 : i32 to vector<16xi32>
    %add3A_742 = arith.addi %mul3A_739, %add3A_741 : vector<16xi32>
    tpu.vector_store_idx %arg11[%add3A_742], %gather3A_731 : memref<2048xf32, #tpu.memory_space<vmem>>[vector<16xi32>], vector<16xf32>,
    %add3A_743 = arith.constant 2 : i32
    %add3A_744 = vector.broadcast %add3A_743 : i32 to vector<16xi32>
    %add3A_745 = arith.addi %mul3A_739, %add3A_744 : vector<16xi32>
    tpu.vector_store_idx %arg11[%add3A_745], %gather3A_732 : memref<2048xf32, #tpu.memory_space<vmem>>[vector<16xi32>], vector<16xf32>,
    %add3A_746 = arith.constant 3 : i32
    %add3A_747 = vector.broadcast %add3A_746 : i32 to vector<16xi32>
    %add3A_748 = arith.addi %mul3A_739, %add3A_747 : vector<16xi32>
    tpu.vector_store_idx %arg11[%add3A_748], %gather3A_733 : memref<2048xf32, #tpu.memory_space<vmem>>[vector<16xi32>], vector<16xf32>,
    %mul3A_749 = arith.constant 4 : i32
    %mul3A_750 = arith.muli %mul3A_2, %mul3A_749 : i32
    "tpu.region"() ({
      %run_scoped3A = tpu.sem_alloc : memref<!tpu.dma_semaphore, #tpu.memory_space<semaphore_mem>>
      %dma_start3A_751 = tpu.memref_slice %arg6[%mul3A_750] : memref<65536xf32, #tpu.memory_space<hbm>> -> memref<2048xf32, #tpu.memory_space<hbm>>
      %dma_start3A_752 = tpu.memref_slice %arg6[%mul3A_750] : memref<65536xf32, #tpu.memory_space<hbm>> -> memref<2048xf32, #tpu.memory_space<hbm>>
      tpu.enqueue_dma source(%arg11 : memref<2048xf32, #tpu.memory_space<vmem>>) target(%dma_start3A_752 : memref<2048xf32, #tpu.memory_space<hbm>>) target_semaphore(%run_scoped3A : memref<!tpu.dma_semaphore, #tpu.memory_space<semaphore_mem>>)
      %dma_wait3A_753 = tpu.memref_slice %arg6[%mul3A_750] : memref<65536xf32, #tpu.memory_space<hbm>> -> memref<2048xf32, #tpu.memory_space<hbm>>
      %dma_wait3A_754 = tpu.memref_slice %arg6[%mul3A_750] : memref<65536xf32, #tpu.memory_space<hbm>> -> memref<2048xf32, #tpu.memory_space<hbm>>
      tpu.wait_dma2 semaphore(%run_scoped3A : memref<!tpu.dma_semaphore, #tpu.memory_space<semaphore_mem>>) src(%arg11 : memref<2048xf32, #tpu.memory_space<vmem>>) dst(%dma_wait3A_754 : memref<2048xf32, #tpu.memory_space<hbm>>)
      tpu.yield
    }) : () -> ()
    return
  }
}

</mosaic_0001>

<sc_bundles>
// kernel: kernel.3.cloned.1.call-start
scs
__scs_entry_jumppad:
0x0: {  	(pc) =	sbr.rel $0x88, $3  }
0x1: {  	(tag) =	ssettag $0x0;
	lr =	simm.s32 $0x1  }
0x2: {  	[smem:$0x3F9D] =	sst lr;
	_ =	strace $0xD0000000  }
0x3: {  	_ = 	snop  }
0x4: {  	_ = 	snop  }
0x5: {  	_ = 	snop  }
0x6: {  	_ = 	snop  }
0x7: {  	_ = 	snop  }
__scs_overlays_trampoline_lowered:
0x8: {  	[smem:$0x3FAC] =	sst s0  }
0x9: {  	[smem:$0x3FAD] =	sst s1  }
0xa: {  	[smem:$0x3FAE] =	sst s2  }
0xb: {  	[smem:$0x3FAF] =	sst s3  }
0xc: {  	[smem:$0x3FB0] =	sst s4  }
0xd: {  	[smem:$0x3FB1] =	sst s5  }
0xe: {  	[smem:$0x3FB2] =	sst s6  }
0xf: {  	[smem:$0x3FB3] =	sst s7  }
0x10: {  	[smem:$0x3FB4] =	sst s8  }
0x11: {  	[smem:$0x3FB5] =	sst s9;
	s0 =	simm.s32 @!p0 $0x0  }
0x12: {  	s1 =	sld [smem:$0x3F9B];
	s0 =	simm.s32 @p0 $0x1  }
0x13: {  	[smem:$0x3FB6] =	sst s0;
	s0 =	simm.s32 @!p1 $0x0  }
0x14: {  	s2 =	sld [smem:$0x3F9A];
	s0 =	simm.s32 @p1 $0x1  }
0x15: {  	[smem:$0x3FB7] =	sst s0;
	s0 =	simm.s32 @!p2 $0x0  }
0x16: {  	s3 =	sld [smem:$0x3FDB];
	s0 =	simm.s32 @p2 $0x1  }
0x17: {  	s4 =	simm.s32 $0x1BF5;
	[smem:$0x3FB9] =	sst s0  }
0x18: {  	s0 =	sld [smem:$0x3F9C];
	_ =	swait.ge [sflag:s4], $0x0  }
0x19: {  	s7 =	sld [smem:$0x3F9D]  }
0x1a: {  	s8 =	sadd.s32 $0xFFFFE003, lr  }
0x1b: {  	s9 =	sadd.s32 $0xFFFFFEF7, lr;
	s5 =	simm.s32 $0xFFFFFFFF;
	p2 =	slt.u32 s8, $0xFFFFF086  }
0x1c: {  	p1 =	slt.u32 s9, $0xF7A;
	s5 =	simm.s32 @!p2 $0x0  }
0x1d: {  	s5 =	simm.s32 @p1 $0x1;
	p0 =	seq.s32 s7, s2  }
0x1e: {  	s7 =	smul.u32 @!p0 $0xF7A, s2;
	p2 =	seq.s32 @!p0 s5, $0x0  }
0x1f: {  	s9 =	smul.u32 $0xF7A, s1;
	s8 =	simm.s32 @!p0 $0x1BF5;
	p2 =	por !p2, p0  }
0x20: {  	[sflag:s8] =	ssyncset.s32 @!p0 $0xFFFFF086;
	s6 =	sadd.s32 @!p0 s3, s7;
	s7 =	simm.s32 @!p0 $0x108  }
0x21: {  	s3 =	sadd.s32 s3, s9;
	s6 =	sadd.s32 @!p0 $0x88, s6;
	s7 =	simm.s32 @p2 $0x1082  }
0x22: {  	[simem:s7], [sflag:s8] =	dma.local @!p0 [hbm:s6], $0xF7A  }
0x23: {  	s9 =	sor.u32 $0xD0000000, s2;
	s6 =	simm.s32 $0x108;
	_ =	swait.ge @!p0 [sflag:s8], $0x0  }
0x24: {  	s3 =	sadd.s32 $0x88, s3;
	s6 =	simm.s32 @!p1 $0x1082;
	[sflag:s4] =	ssyncset.s32 $0xFFFFF086  }
0x25: {  	[simem:s6], [sflag:s4] =	dma.local [hbm:s3], $0xF7A  }
0x26: {  	[smem:$0x3F9D] =	sst s1;
	(tag) =	ssettag s2;
	_ =	strace s9  }
0x27: {  	s1 =	sld [smem:$0x3FAD]  }
0x28: {  	s2 =	sld [smem:$0x3FAE]  }
0x29: {  	s4 =	sld [smem:$0x3FB0]  }
0x2a: {  	p0 =	seq.s32 s5, $0x0;
	s5 =	sld [smem:$0x3FB1]  }
0x2b: {  	s6 =	sld [smem:$0x3FB2]  }
0x2c: {  	s7 =	sld [smem:$0x3FB3]  }
0x2d: {  	s3 =	simm.s32 $0x108;
	s8 =	sld [smem:$0x3FB4]  }
0x2e: {  	s3 =	simm.s32 @!p0 $0x1082;
	s9 =	sld [smem:$0x3FB5]  }
0x2f: {  	lr =	sadd.s32 s0, s3;
	s0 =	sld [smem:$0x3FAC]  }
0x30: {  	s3 =	sld [smem:$0x3FAF]  }
0x31: {  	[smem:$0x3FB8] =	sst s10  }
0x32: {  	s10 =	sld [smem:$0x3FB6];
	_ =	sdelay $0x3  }
0x33: {  	p0 =	seq.s32 s10, $0x1;
	s10 =	sld [smem:$0x3FB8];
	_ =	sdelay $0x3  }
0x34: {  	[smem:$0x3FB8] =	sst s10  }
0x35: {  	s10 =	sld [smem:$0x3FB7];
	_ =	sdelay $0x3  }
0x36: {  	p1 =	seq.s32 s10, $0x1;
	s10 =	sld [smem:$0x3FB8];
	_ =	sdelay $0x3  }
0x37: {  	[smem:$0x3FB8] =	sst s10  }
0x38: {  	s10 =	sld [smem:$0x3FB9]  }
0x39: {  	_ = 	snop;
	(pc) =	sbr.ind lr, $3  }
0x3a: {  	_ = 	snop  }
0x3b: {  	_ = 	snop  }
0x3c: {  	p2 =	seq.s32 s10, $0x1;
	s10 =	sld [smem:$0x3FB8]  }
0x3d: {  	_ =	shalt  }
0x3e: {  	_ =	shalt  }
0x3f: {  	_ =	shalt  }
0x40: {  	_ =	shalt  }
0x41: {  	_ =	shalt  }
0x42: {  	_ =	shalt  }
0x43: {  	_ =	shalt  }
0x44: {  	_ =	shalt  }
0x45: {  	_ =	shalt  }
0x46: {  	_ =	shalt  }
0x47: {  	_ =	shalt  }
0x48: {  	_ =	shalt  }
0x49: {  	_ =	shalt  }
0x4a: {  	_ =	shalt  }
0x4b: {  	_ =	shalt  }
0x4c: {  	_ =	shalt  }
0x4d: {  	_ =	shalt  }
0x4e: {  	_ =	shalt  }
0x4f: {  	_ =	shalt  }
0x50: {  	_ =	shalt  }
0x51: {  	_ =	shalt  }
0x52: {  	_ =	shalt  }
0x53: {  	_ =	shalt  }
0x54: {  	_ =	shalt  }
0x55: {  	_ =	shalt  }
0x56: {  	_ =	shalt  }
0x57: {  	_ =	shalt  }
0x58: {  	_ =	shalt  }
0x59: {  	_ =	shalt  }
0x5a: {  	_ =	shalt  }
0x5b: {  	_ =	shalt  }
0x5c: {  	_ =	shalt  }
0x5d: {  	_ =	shalt  }
0x5e: {  	_ =	shalt  }
0x5f: {  	_ =	shalt  }
0x60: {  	_ =	shalt  }
0x61: {  	_ =	shalt  }
0x62: {  	_ =	shalt  }
0x63: {  	_ =	shalt  }
0x64: {  	_ =	shalt  }
0x65: {  	_ =	shalt  }
0x66: {  	_ =	shalt  }
0x67: {  	_ =	shalt  }
0x68: {  	_ =	shalt  }
0x69: {  	_ =	shalt  }
0x6a: {  	_ =	shalt  }
0x6b: {  	_ =	shalt  }
0x6c: {  	_ =	shalt  }
0x6d: {  	_ =	shalt  }
0x6e: {  	_ =	shalt  }
0x6f: {  	_ =	shalt  }
0x70: {  	_ =	shalt  }
0x71: {  	_ =	shalt  }
0x72: {  	_ =	shalt  }
0x73: {  	_ =	shalt  }
0x74: {  	_ =	shalt  }
0x75: {  	_ =	shalt  }
0x76: {  	_ =	shalt  }
0x77: {  	_ =	shalt  }
0x78: {  	_ =	shalt  }
0x79: {  	_ =	shalt  }
0x7a: {  	_ =	shalt  }
0x7b: {  	_ =	shalt  }
0x7c: {  	_ =	shalt  }
0x7d: {  	_ =	shalt  }
0x7e: {  	_ =	shalt  }
0x7f: {  	_ =	shalt  }
0x80: {  	_ =	shalt  }
0x81: {  	_ =	shalt  }
0x82: {  	_ =	shalt  }
0x83: {  	_ =	shalt  }
0x84: {  	_ =	shalt  }
0x85: {  	_ =	shalt  }
0x86: {  	_ =	shalt  }
0x87: {  	_ =	shalt  }
.Lfunc_end0:
.L_simem_size_0:
called_computation_lowered:
.L_overlay_start_0:
0x88: {  	s2 =	sld [smem:$0x3FD9]  }
0x89: {  	s3 =	sld [smem:$0x3FFE];
	_ =	sdelay $0x1  }
0x8a: {  	s1 =	srdreg.scid  }
0x8b: {  	s0 =	sand.u32 $0x1, s1  }
0x8c: {  	s17 =	sshll.u32 s0, $0xA;
	s2 =	sadd.s32 s3, s2  }
0x8d: {  	s2 =	sadd.s32 s2, s17  }
0x8e: {  	[smem:$0x3FC4] =	sst s2  }
0x8f: {  	_ = 	snop  }
0x90: {  	s2 =	sld [smem:$0x3FC9]  }
0x91: {  	s18 =	sld [smem:$0x3FC8]  }
0x92: {  	s4 =	sld [smem:$0x3FD0];
	(tm) =	ssettm $0x1  }
0x93: {  	s5 =	sld [smem:$0x3FFB];
	_ =	sdelay $0x3  }
0x94: {  	_ =	strace s5  }
0x95: {  	s5 =	sld [smem:$0x3FFC];
	_ =	sdelay $0x3  }
0x96: {  	_ =	strace s5  }
0x97: {  	s5 =	sld [smem:$0x3FFD];
	_ =	sdelay $0x3  }
0x98: {  	_ =	strace s5  }
0x99: {  	_ =	strace $0x8FFFFFFF  }
0x9a: {  	s19 =	sld [smem:$0x3FDB];
	_ =	sdelay $0x1  }
0x9b: {  	s6 =	simm.s32 $_scs_section_size  }
0x9c: {  	s7 =	simm.s32 $_size__tile_overlayer_lowered;
	s8 =	simm.s32 $_tile_overlayer_lowered  }
0x9d: {  	s22 =	simm.s32 $0x1BFF;
	s21 =	sshll.u32 s8, $0x1;
	s5 =	sadd.s32 s6, s19  }
0x9e: {  	s9 =	simm.s32 $0x0;
	s20 =	sshll.u32 s7, $0x1;
	s7 =	sadd.s32 s21, s5  }
0x9f: {  	[timem:s9], [sflag:s22] =	dma.local [hbm:s7], s20  }
0xa0: {  	_ =	swait.ge [sflag:s22], s20  }
0xa1: {  	s6 =	ssub.s32 $0x0, s20;
	[sflag:s22] =	ssyncset.done $0x0  }
0xa2: {  	[sflag:s22] =	ssyncadd.s32 s6;
	_ =	sdelay $0x1  }
0xa3: {  	s23 =	simm.s32 $0x1B8B  }
0xa4: {  	_ =	swait.ge [sflag:s23], $0x1  }
0xa5: {  	[sflag:s23] =	ssyncset.done $0x0  }
0xa6: {  	s25 =	simm.s32 $0x1B8E;
	s24 =	sld [smem:$0x3FFE];
	[sflag:s23] =	ssyncadd.s32 $0xFFFFFFFF  }
0xa7: {  	s26 =	simm.s32 $execute0_lowered;
	[smem:$0x3FD2] =	sst s25  }
0xa8: {  	s7 =	sshll.u32 s26, $0x1;
	_ =	strace $0x80000046;
	[dreg:$0x1] =	wrdreg $0xFFFFFFFF  }
0xa9: {  	s28 =	simm.s32 $_size_execute0_lowered;
	s5 =	sadd.s32 s5, s7;
	[dreg:$0x0] =	wrdreg $0x0  }
0xaa: {  	s7 =	sshll.u32 s28, $0x1;
	[dreg:$0x2] =	wrdreg s5  }
0xab: {  	[dreg:$0x3] =	wrdreg s7  }
0xac: {  	[dreg:$0x4] =	wrdreg $0xC0  }
0xad: {  	_ =	task [dreg:s9], $0x5FFFF  }
0xae: {  	[dreg:$0x1] =	wrdreg $0xFFFFFFFF  }
0xaf: {  	[dreg:$0x0] =	wrdreg $0x60  }
0xb0: {  	[dreg:$0x2] =	wrdreg s2  }
0xb1: {  	[dreg:$0x3] =	wrdreg s18  }
0xb2: {  	[dreg:$0x4] =	wrdreg s24  }
0xb3: {  	[dreg:$0x5] =	wrdreg s4  }
0xb4: {  	[dreg:$0x6] =	wrdreg $0x9  }
0xb5: {  	_ =	task.clear_ibuf [dreg:s9], $0x7FFFF;
	_ =	strace $0x90000046  }
0xb6: {  	s29 =	simm.s32 $0x9;
	_ =	strace $0x80000048  }
0xb7: {  	_ =	swait.ge [sflag:s29], $0x1  }
0xb8: {  	[sflag:s29] =	ssyncadd.s32 $0xFFFFFFFF  }
0xb9: {  	_ =	strace $0x90000048  }
0xba: {  	_ =	sfence  }
0xbb: {  	s30 =	sld [smem:$0x0];
	_ =	sdelay $0x2  }
0xbc: {  	s31 =	sshll.u32 s1, $0xD;
	s1 =	sshrl.u32 s1, $0x2  }
0xbd: {  	s3 =	sand.u32 $0x4000, s31;
	s1 =	sadd.s32 s1, s30  }
0xbe: {  	s0 =	sor.u32 s3, s0;
	s1 =	sshll.u32 s1, $0x11  }
0xbf: {  	s0 =	sor.u32 s1, s0  }
0xc0: {  	s0 =	sadd.s32 $0x8F2B, s0  }
0xc1: {  	[sflag:s0] =	ssyncadd.remote.s32 $0x1  }
0xc2: {  	_ =	sfence.sel $0xFFFF  }
0xc3: {  	[dreg:$0x0] =	wrdreg $0xFFFFFFFF;
	(pc) =	sbr.abs _section_cstart, $3  }
0xc4: {  	[dreg:$0x1] =	wrdreg $0xFFFFFFFF  }
0xc5: {  	_ =	task.clear_ibuf [dreg:s9], $0x2FFFF;
	_ =	strace $0x9FFFFFFF  }
0xc6: {  	(tm) =	ssettm $0x7FFFFFFF  }
0xc7: {  	_ =	shalt  }
tec
execute0_lowered:
.L_overlay_start_1:
0x0: {  	(tag) =	ssettag $0x1  }
0x1: {  	v0 =	vlaneseq.u32  }
0x2: {  	v0 =	vmul.u32 $0x4, v0;
	_ =	sdelay $0x1  }
0x3: {  	v1 =	vor.u32 $0x1, v0;
	v9 =	vor.u32 $0x81, v0;
	v10 =	vor.u32 $0x82, v0  }
0x4: {  	v11 =	vor.u32 $0x83, v0;
	v12 =	vor.u32 $0xC0, v0;
	v13 =	vor.u32 $0xC1, v0  }
0x5: {  	v14 =	vor.u32 $0xC2, v0;
	v15 =	vor.u32 $0xC3, v0;
	v16 =	vor.u32 $0x100, v0  }
0x6: {  	v17 =	vor.u32 $0x101, v0;
	v18 =	vor.u32 $0x102, v0;
	v19 =	vor.u32 $0x103, v0  }
0x7: {  	v20 =	vor.u32 $0x140, v0;
	v21 =	vor.u32 $0x141, v0;
	v22 =	vor.u32 $0x142, v0  }
0x8: {  	v23 =	vor.u32 $0x143, v0;
	v24 =	vor.u32 $0x180, v0;
	v25 =	vor.u32 $0x181, v0  }
0x9: {  	v26 =	vor.u32 $0x182, v0;
	v27 =	vor.u32 $0x183, v0;
	v28 =	vor.u32 $0x1C0, v0  }
0xa: {  	v29 =	vor.u32 $0x1C1, v0;
	v30 =	vor.u32 $0x1C2, v0;
	v31 =	vor.u32 $0x1C3, v0  }
0xb: {  	s5 =	rddreg [dreg:$0x0];
	v32 =	vor.u32 $0x200, v0;
	v33 =	vor.u32 $0x201, v0;
	v34 =	vor.u32 $0x202, v0  }
0xc: {  	s6 =	rddreg [dreg:$0x1];
	v35 =	vor.u32 $0x203, v0;
	v36 =	vor.u32 $0x240, v0;
	v37 =	vor.u32 $0x241, v0  }
0xd: {  	s4 =	rddreg [dreg:$0x2];
	v38 =	vor.u32 $0x242, v0;
	v39 =	vor.u32 $0x243, v0;
	v40 =	vor.u32 $0x280, v0  }
0xe: {  	s7 =	rddreg [dreg:$0x3];
	v41 =	vor.u32 $0x281, v0;
	v42 =	vor.u32 $0x282, v0;
	v43 =	vor.u32 $0x283, v0  }
0xf: {  	s0 =	rddreg [dreg:$0x4];
	s1 =	simm.s32 $0x0;
	v44 =	vor.u32 $0x2C0, v0;
	v45 =	vor.u32 $0x2C1, v0;
	[tilespmem:$0x1FF80] =	vst v1;
	v1 =	vor.u32 $0x2, v0  }
0x10: {  	s3 =	srdreg.scid;
	s2 =	stileid.u32;
	s12 =	simm.s32 $0x1;
	v46 =	vor.u32 $0x2C2, v0;
	v47 =	vor.u32 $0x2C3, v0;
	[tilespmem:$0x1FF90] =	vst v1;
	v1 =	vor.u32 $0x3, v0  }
0x11: {  	s13 =	simm.s32 $0x800;
	s14 =	simm.s32 $0x2;
	[smem:$0x7FF] =	sst s1;
	v48 =	vor.u32 $0x300, v0;
	v49 =	vor.u32 $0x301, v0;
	[tilespmem:$0x1FFA0] =	vst v1;
	v1 =	vor.u32 $0x40, v0  }
0x12: {  	s8 =	sand.u32 $0x1, s3;
	s9 =	sshll.u32 s2, $0x1;
	s3 =	sadd.s32 $0x400, s4;
	v50 =	vor.u32 $0x302, v0;
	v51 =	vor.u32 $0x303, v0;
	[tilespmem:$0x1FFB0] =	vst v1;
	v1 =	vor.u32 $0x41, v0  }
0x13: {  	s4 =	sadd.s32 $0x600, s4;
	s10 =	ssub.s32 $0x2, s8;
	s8 =	sor.u32 s8, s9;
	v52 =	vor.u32 $0x340, v0;
	v53 =	vor.u32 $0x341, v0;
	[tilespmem:$0x1FFC0] =	vst v1;
	v1 =	vor.u32 $0x42, v0  }
0x14: {  	s31 =	sshrl.u32 s10, $0x1;
	s11 =	sshll.u32 s8, $0x6;
	s8 =	sshll.u32 s8, $0x8;
	v54 =	vor.u32 $0x342, v0;
	v55 =	vor.u32 $0x343, v0;
	[tilespmem:$0x1FFD0] =	vst v1;
	v1 =	vor.u32 $0x43, v0  }
0x15: {  	v56 =	vor.u32 $0x380, v0;
	v57 =	vor.u32 $0x381, v0;
	s9 =	ssub.s32 s10, s31;
	s5 =	sadd.s32 s5, s11;
	s6 =	sadd.s32 s6, s11;
	[tilespmem:$0x1FFE0] =	vst v1;
	v1 =	vor.u32 $0x80, v0  }
0x16: {  	v58 =	vor.u32 $0x382, v0;
	v59 =	vor.u32 $0x383, v0;
	v60 =	vor.u32 $0x3C0, v0;
	s7 =	sadd.s32 s7, s8;
	s10 =	simm.s32 $0x600;
	s11 =	simm.s32 $0x200;
	[tilespmem:$0x1FFF0] =	vst v1  }
0x17: {  	v61 =	vor.u32 $0x3C1, v0;
	v62 =	vor.u32 $0x3C2, v0;
	v63 =	vor.u32 $0x3C3, v0;
	s8 =	smax.u32 s9, $0x1;
	s9 =	simm.s32 $0x400;
	_ =	strace $0x80000047  }
.LBB2_1:
0x18: {  	[tilespmem:s9], [sflag:$0x1] =	stream.linear.gather [hbm4b:s3+s1], $0x180, $0x38;
	[tilespmem:$0x1000] =	vst v63  }
0x19: {  	_ = 	snop  }
0x1a: {  	[tilespmem:s10], [sflag:$0x1] =	stream.linear.gather [hbm4b:s4+s1], $0x180, $0x38;
	[tilespmem:$0x1000] =	vst v63  }
0x1b: {  	_ = 	snop  }
0x1c: {  	[tilespmem:s1], [sflag:$0x1] =	stream.linear.gather [hbm4b:s5+s1], $0x200, $0x38;
	[tilespmem:$0x1000] =	vst v63  }
0x1d: {  	_ = 	snop  }
0x1e: {  	[tilespmem:s11], [sflag:$0x1] =	stream.linear.gather [hbm4b:s6+s1], $0x200, $0x38;
	[tilespmem:$0x1000] =	vst v63  }
0x1f: {  	_ =	swait.ge [sflag:s12], $0x180  }
0x20: {  	[sflag:s12] =	ssyncset.done $0x0  }
0x21: {  	[sflag:s12] =	ssyncadd.s32 $0xFFFFFE80  }
0x22: {  	_ =	swait.ge [sflag:s12], $0x180  }
0x23: {  	[sflag:s12] =	ssyncset.done $0x0  }
0x24: {  	[sflag:s12] =	ssyncadd.s32 $0xFFFFFE80  }
0x25: {  	_ =	swait.ge [sflag:s12], $0x200  }
0x26: {  	[sflag:s12] =	ssyncset.done $0x0  }
0x27: {  	[sflag:s12] =	ssyncadd.s32 $0xFFFFFE00  }
0x28: {  	_ =	swait.ge [sflag:s12], $0x200  }
0x29: {  	[sflag:s12] =	ssyncset.done $0x0  }
0x2a: {  	[sflag:s12] =	ssyncadd.s32 $0xFFFFFE00  }
0x2b: {  	v1 =	vld [tilespmem:$0x0];
	_ =	sdelay $0x1  }
0x2c: {  	v2 =	vld [tilespmem:$0x200];
	_ =	sdelay $0x2  }
0x2d: {  	v1 =	vshll.u32 v1, $0x7;
	_ =	sdelay $0x1  }
0x2e: {  	v2 =	vshll.u32 v2, $0x7  }
0x2f: {  	v3 =	vor.u32 $0x1, v1  }
0x30: {  	v4 =	vor.u32 $0x1, v2  }
0x31: {  	v1 =	vld.idx.msk [tilespmem:v1+s9+$0x0], $0xffff;
	_ =	sdelay $0x1  }
0x32: {  	v2 =	vld.idx.msk [tilespmem:v2+s10+$0x0], $0xffff  }
0x33: {  	v3 =	vld.idx.msk [tilespmem:v3+s9+$0x0], $0xffff  }
0x34: {  	v4 =	vld.idx.msk [tilespmem:v4+s10+$0x0], $0xffff  }
0x35: {  	[tilespmem:v0+s13+$0x0] =	vst.idx.msk $0xffff, v1;
	v1 =	vld [tilespmem:$0x1FF80];
	_ =	sdelay $0x7  }
0x36: {  	[tilespmem:v1+s13+$0x0] =	vst.idx.msk $0xffff, v3;
	v1 =	vld [tilespmem:$0x1FF90];
	_ =	sdelay $0x7  }
0x37: {  	[tilespmem:v1+s13+$0x0] =	vst.idx.msk $0xffff, v2;
	v1 =	vld [tilespmem:$0x1FFA0];
	_ =	sdelay $0x7  }
0x38: {  	[tilespmem:v1+s13+$0x0] =	vst.idx.msk $0xffff, v4  }
0x39: {  	v1 =	vld [tilespmem:$0x10];
	_ =	sdelay $0x1  }
0x3a: {  	v2 =	vld [tilespmem:$0x210];
	_ =	sdelay $0x2  }
0x3b: {  	v1 =	vshll.u32 v1, $0x7;
	_ =	sdelay $0x1  }
0x3c: {  	v5 =	vld [tilespmem:$0x1FFB0];
	v2 =	vshll.u32 v2, $0x7  }
0x3d: {  	v3 =	vor.u32 $0x1, v1  }
0x3e: {  	v4 =	vor.u32 $0x1, v2  }
0x3f: {  	v1 =	vld.idx.msk [tilespmem:v1+s9+$0x0], $0xffff;
	_ =	sdelay $0x1  }
0x40: {  	v2 =	vld.idx.msk [tilespmem:v2+s10+$0x0], $0xffff  }
0x41: {  	v3 =	vld.idx.msk [tilespmem:v3+s9+$0x0], $0xffff  }
0x42: {  	v4 =	vld.idx.msk [tilespmem:v4+s10+$0x0], $0xffff  }
0x43: {  	[tilespmem:v5+s13+$0x0] =	vst.idx.msk $0xffff, v1;
	v1 =	vld [tilespmem:$0x1FFC0];
	_ =	sdelay $0x7  }
0x44: {  	[tilespmem:v1+s13+$0x0] =	vst.idx.msk $0xffff, v3;
	v1 =	vld [tilespmem:$0x1FFD0];
	_ =	sdelay $0x7  }
0x45: {  	[tilespmem:v1+s13+$0x0] =	vst.idx.msk $0xffff, v2;
	v1 =	vld [tilespmem:$0x1FFE0];
	_ =	sdelay $0x7  }
0x46: {  	[tilespmem:v1+s13+$0x0] =	vst.idx.msk $0xffff, v4  }
0x47: {  	v1 =	vld [tilespmem:$0x20];
	_ =	sdelay $0x1  }
0x48: {  	v2 =	vld [tilespmem:$0x220];
	_ =	sdelay $0x2  }
0x49: {  	v1 =	vshll.u32 v1, $0x7  }
0x4a: {  	v3 =	vor.u32 $0x1, v1  }
0x4b: {  	v5 =	vld [tilespmem:$0x1FFF0];
	v2 =	vshll.u32 v2, $0x7  }
0x4c: {  	v4 =	vor.u32 $0x1, v2;
	_ =	sdelay $0x1  }
0x4d: {  	v1 =	vld.idx.msk [tilespmem:v1+s9+$0x0], $0xffff  }
0x4e: {  	v3 =	vld.idx.msk [tilespmem:v3+s9+$0x0], $0xffff  }
0x4f: {  	v2 =	vld.idx.msk [tilespmem:v2+s10+$0x0], $0xffff  }
0x50: {  	v4 =	vld.idx.msk [tilespmem:v4+s10+$0x0], $0xffff;
	_ =	sdelay $0x1  }
0x51: {  	[tilespmem:v5+s13+$0x0] =	vst.idx.msk $0xffff, v1  }
0x52: {  	[tilespmem:v9+s13+$0x0] =	vst.idx.msk $0xffff, v3  }
0x53: {  	[tilespmem:v10+s13+$0x0] =	vst.idx.msk $0xffff, v2  }
0x54: {  	[tilespmem:v11+s13+$0x0] =	vst.idx.msk $0xffff, v4  }
0x55: {  	v1 =	vld [tilespmem:$0x30];
	_ =	sdelay $0x1  }
0x56: {  	v2 =	vld [tilespmem:$0x230];
	_ =	sdelay $0x2  }
0x57: {  	v1 =	vshll.u32 v1, $0x7  }
0x58: {  	v3 =	vor.u32 $0x1, v1  }
0x59: {  	v2 =	vshll.u32 v2, $0x7  }
0x5a: {  	v4 =	vor.u32 $0x1, v2;
	_ =	sdelay $0x1  }
0x5b: {  	v1 =	vld.idx.msk [tilespmem:v1+s9+$0x0], $0xffff  }
0x5c: {  	v3 =	vld.idx.msk [tilespmem:v3+s9+$0x0], $0xffff  }
0x5d: {  	v2 =	vld.idx.msk [tilespmem:v2+s10+$0x0], $0xffff  }
0x5e: {  	v4 =	vld.idx.msk [tilespmem:v4+s10+$0x0], $0xffff;
	_ =	sdelay $0x1  }
0x5f: {  	[tilespmem:v12+s13+$0x0] =	vst.idx.msk $0xffff, v1  }
0x60: {  	[tilespmem:v13+s13+$0x0] =	vst.idx.msk $0xffff, v3  }
0x61: {  	[tilespmem:v14+s13+$0x0] =	vst.idx.msk $0xffff, v2  }
0x62: {  	[tilespmem:v15+s13+$0x0] =	vst.idx.msk $0xffff, v4  }
0x63: {  	v1 =	vld [tilespmem:$0x40];
	_ =	sdelay $0x1  }
0x64: {  	v2 =	vld [tilespmem:$0x240];
	_ =	sdelay $0x2  }
0x65: {  	v1 =	vshll.u32 v1, $0x7  }
0x66: {  	v3 =	vor.u32 $0x1, v1  }
0x67: {  	v2 =	vshll.u32 v2, $0x7  }
0x68: {  	v4 =	vor.u32 $0x1, v2;
	_ =	sdelay $0x1  }
0x69: {  	v1 =	vld.idx.msk [tilespmem:v1+s9+$0x0], $0xffff  }
0x6a: {  	v3 =	vld.idx.msk [tilespmem:v3+s9+$0x0], $0xffff  }
0x6b: {  	v2 =	vld.idx.msk [tilespmem:v2+s10+$0x0], $0xffff  }
0x6c: {  	v4 =	vld.idx.msk [tilespmem:v4+s10+$0x0], $0xffff;
	_ =	sdelay $0x1  }
0x6d: {  	[tilespmem:v16+s13+$0x0] =	vst.idx.msk $0xffff, v1  }
0x6e: {  	[tilespmem:v17+s13+$0x0] =	vst.idx.msk $0xffff, v3  }
0x6f: {  	[tilespmem:v18+s13+$0x0] =	vst.idx.msk $0xffff, v2  }
0x70: {  	[tilespmem:v19+s13+$0x0] =	vst.idx.msk $0xffff, v4  }
0x71: {  	v1 =	vld [tilespmem:$0x50];
	_ =	sdelay $0x1  }
0x72: {  	v2 =	vld [tilespmem:$0x250];
	_ =	sdelay $0x2  }
0x73: {  	v1 =	vshll.u32 v1, $0x7  }
0x74: {  	v3 =	vor.u32 $0x1, v1  }
0x75: {  	v2 =	vshll.u32 v2, $0x7  }
0x76: {  	v4 =	vor.u32 $0x1, v2;
	_ =	sdelay $0x1  }
0x77: {  	v1 =	vld.idx.msk [tilespmem:v1+s9+$0x0], $0xffff  }
0x78: {  	v3 =	vld.idx.msk [tilespmem:v3+s9+$0x0], $0xffff  }
0x79: {  	v2 =	vld.idx.msk [tilespmem:v2+s10+$0x0], $0xffff  }
0x7a: {  	v4 =	vld.idx.msk [tilespmem:v4+s10+$0x0], $0xffff;
	_ =	sdelay $0x1  }
0x7b: {  	[tilespmem:v20+s13+$0x0] =	vst.idx.msk $0xffff, v1  }
0x7c: {  	[tilespmem:v21+s13+$0x0] =	vst.idx.msk $0xffff, v3  }
0x7d: {  	[tilespmem:v22+s13+$0x0] =	vst.idx.msk $0xffff, v2  }
0x7e: {  	[tilespmem:v23+s13+$0x0] =	vst.idx.msk $0xffff, v4  }
0x7f: {  	v1 =	vld [tilespmem:$0x60];
	_ =	sdelay $0x1  }
0x80: {  	v2 =	vld [tilespmem:$0x260];
	_ =	sdelay $0x2  }
0x81: {  	v1 =	vshll.u32 v1, $0x7  }
0x82: {  	v3 =	vor.u32 $0x1, v1  }
0x83: {  	v2 =	vshll.u32 v2, $0x7  }
0x84: {  	v4 =	vor.u32 $0x1, v2;
	_ =	sdelay $0x1  }
0x85: {  	v1 =	vld.idx.msk [tilespmem:v1+s9+$0x0], $0xffff  }
0x86: {  	v3 =	vld.idx.msk [tilespmem:v3+s9+$0x0], $0xffff  }
0x87: {  	v2 =	vld.idx.msk [tilespmem:v2+s10+$0x0], $0xffff  }
0x88: {  	v4 =	vld.idx.msk [tilespmem:v4+s10+$0x0], $0xffff;
	_ =	sdelay $0x1  }
0x89: {  	[tilespmem:v24+s13+$0x0] =	vst.idx.msk $0xffff, v1  }
0x8a: {  	[tilespmem:v25+s13+$0x0] =	vst.idx.msk $0xffff, v3  }
0x8b: {  	[tilespmem:v26+s13+$0x0] =	vst.idx.msk $0xffff, v2  }
0x8c: {  	[tilespmem:v27+s13+$0x0] =	vst.idx.msk $0xffff, v4  }
0x8d: {  	v1 =	vld [tilespmem:$0x70];
	_ =	sdelay $0x1  }
0x8e: {  	v2 =	vld [tilespmem:$0x270];
	_ =	sdelay $0x2  }
0x8f: {  	v1 =	vshll.u32 v1, $0x7  }
0x90: {  	v3 =	vor.u32 $0x1, v1  }
0x91: {  	v2 =	vshll.u32 v2, $0x7  }
0x92: {  	v4 =	vor.u32 $0x1, v2;
	_ =	sdelay $0x1  }
0x93: {  	v1 =	vld.idx.msk [tilespmem:v1+s9+$0x0], $0xffff  }
0x94: {  	v3 =	vld.idx.msk [tilespmem:v3+s9+$0x0], $0xffff  }
0x95: {  	v2 =	vld.idx.msk [tilespmem:v2+s10+$0x0], $0xffff  }
0x96: {  	v4 =	vld.idx.msk [tilespmem:v4+s10+$0x0], $0xffff;
	_ =	sdelay $0x1  }
0x97: {  	[tilespmem:v28+s13+$0x0] =	vst.idx.msk $0xffff, v1  }
0x98: {  	[tilespmem:v29+s13+$0x0] =	vst.idx.msk $0xffff, v3  }
0x99: {  	[tilespmem:v30+s13+$0x0] =	vst.idx.msk $0xffff, v2  }
0x9a: {  	[tilespmem:v31+s13+$0x0] =	vst.idx.msk $0xffff, v4  }
0x9b: {  	v1 =	vld [tilespmem:$0x80];
	_ =	sdelay $0x1  }
0x9c: {  	v2 =	vld [tilespmem:$0x280];
	_ =	sdelay $0x2  }
0x9d: {  	v1 =	vshll.u32 v1, $0x7  }
0x9e: {  	v3 =	vor.u32 $0x1, v1  }
0x9f: {  	v2 =	vshll.u32 v2, $0x7  }
0xa0: {  	v4 =	vor.u32 $0x1, v2;
	_ =	sdelay $0x1  }
0xa1: {  	v1 =	vld.idx.msk [tilespmem:v1+s9+$0x0], $0xffff  }
0xa2: {  	v3 =	vld.idx.msk [tilespmem:v3+s9+$0x0], $0xffff  }
0xa3: {  	v2 =	vld.idx.msk [tilespmem:v2+s10+$0x0], $0xffff  }
0xa4: {  	v4 =	vld.idx.msk [tilespmem:v4+s10+$0x0], $0xffff;
	_ =	sdelay $0x1  }
0xa5: {  	[tilespmem:v32+s13+$0x0] =	vst.idx.msk $0xffff, v1  }
0xa6: {  	[tilespmem:v33+s13+$0x0] =	vst.idx.msk $0xffff, v3  }
0xa7: {  	[tilespmem:v34+s13+$0x0] =	vst.idx.msk $0xffff, v2  }
0xa8: {  	[tilespmem:v35+s13+$0x0] =	vst.idx.msk $0xffff, v4  }
0xa9: {  	v1 =	vld [tilespmem:$0x90];
	_ =	sdelay $0x1  }
0xaa: {  	v2 =	vld [tilespmem:$0x290];
	_ =	sdelay $0x2  }
0xab: {  	v1 =	vshll.u32 v1, $0x7  }
0xac: {  	v3 =	vor.u32 $0x1, v1  }
0xad: {  	v2 =	vshll.u32 v2, $0x7  }
0xae: {  	v4 =	vor.u32 $0x1, v2;
	_ =	sdelay $0x1  }
0xaf: {  	v1 =	vld.idx.msk [tilespmem:v1+s9+$0x0], $0xffff  }
0xb0: {  	v3 =	vld.idx.msk [tilespmem:v3+s9+$0x0], $0xffff  }
0xb1: {  	v2 =	vld.idx.msk [tilespmem:v2+s10+$0x0], $0xffff  }
0xb2: {  	v4 =	vld.idx.msk [tilespmem:v4+s10+$0x0], $0xffff;
	_ =	sdelay $0x1  }
0xb3: {  	[tilespmem:v36+s13+$0x0] =	vst.idx.msk $0xffff, v1  }
0xb4: {  	[tilespmem:v37+s13+$0x0] =	vst.idx.msk $0xffff, v3  }
0xb5: {  	[tilespmem:v38+s13+$0x0] =	vst.idx.msk $0xffff, v2  }
0xb6: {  	[tilespmem:v39+s13+$0x0] =	vst.idx.msk $0xffff, v4  }
0xb7: {  	v1 =	vld [tilespmem:$0xA0];
	_ =	sdelay $0x1  }
0xb8: {  	v2 =	vld [tilespmem:$0x2A0];
	_ =	sdelay $0x2  }
0xb9: {  	v1 =	vshll.u32 v1, $0x7  }
0xba: {  	v3 =	vor.u32 $0x1, v1  }
0xbb: {  	v2 =	vshll.u32 v2, $0x7  }
0xbc: {  	v4 =	vor.u32 $0x1, v2;
	_ =	sdelay $0x1  }
0xbd: {  	v1 =	vld.idx.msk [tilespmem:v1+s9+$0x0], $0xffff  }
0xbe: {  	v3 =	vld.idx.msk [tilespmem:v3+s9+$0x0], $0xffff  }
0xbf: {  	v2 =	vld.idx.msk [tilespmem:v2+s10+$0x0], $0xffff  }
0xc0: {  	v4 =	vld.idx.msk [tilespmem:v4+s10+$0x0], $0xffff;
	_ =	sdelay $0x1  }
0xc1: {  	[tilespmem:v40+s13+$0x0] =	vst.idx.msk $0xffff, v1  }
0xc2: {  	[tilespmem:v41+s13+$0x0] =	vst.idx.msk $0xffff, v3  }
0xc3: {  	[tilespmem:v42+s13+$0x0] =	vst.idx.msk $0xffff, v2  }
0xc4: {  	[tilespmem:v43+s13+$0x0] =	vst.idx.msk $0xffff, v4  }
0xc5: {  	v1 =	vld [tilespmem:$0xB0];
	_ =	sdelay $0x1  }
0xc6: {  	v2 =	vld [tilespmem:$0x2B0];
	_ =	sdelay $0x2  }
0xc7: {  	v1 =	vshll.u32 v1, $0x7  }
0xc8: {  	v3 =	vor.u32 $0x1, v1  }
0xc9: {  	v2 =	vshll.u32 v2, $0x7  }
0xca: {  	v4 =	vor.u32 $0x1, v2;
	_ =	sdelay $0x1  }
0xcb: {  	v1 =	vld.idx.msk [tilespmem:v1+s9+$0x0], $0xffff  }
0xcc: {  	v3 =	vld.idx.msk [tilespmem:v3+s9+$0x0], $0xffff  }
0xcd: {  	v2 =	vld.idx.msk [tilespmem:v2+s10+$0x0], $0xffff  }
0xce: {  	v4 =	vld.idx.msk [tilespmem:v4+s10+$0x0], $0xffff;
	_ =	sdelay $0x1  }
0xcf: {  	[tilespmem:v44+s13+$0x0] =	vst.idx.msk $0xffff, v1  }
0xd0: {  	[tilespmem:v45+s13+$0x0] =	vst.idx.msk $0xffff, v3  }
0xd1: {  	[tilespmem:v46+s13+$0x0] =	vst.idx.msk $0xffff, v2  }
0xd2: {  	[tilespmem:v47+s13+$0x0] =	vst.idx.msk $0xffff, v4  }
0xd3: {  	v1 =	vld [tilespmem:$0xC0];
	_ =	sdelay $0x1  }
0xd4: {  	v2 =	vld [tilespmem:$0x2C0];
	_ =	sdelay $0x2  }
0xd5: {  	v1 =	vshll.u32 v1, $0x7  }
0xd6: {  	v3 =	vor.u32 $0x1, v1  }
0xd7: {  	v2 =	vshll.u32 v2, $0x7  }
0xd8: {  	v4 =	vor.u32 $0x1, v2;
	_ =	sdelay $0x1  }
0xd9: {  	v1 =	vld.idx.msk [tilespmem:v1+s9+$0x0], $0xffff  }
0xda: {  	v3 =	vld.idx.msk [tilespmem:v3+s9+$0x0], $0xffff  }
0xdb: {  	v2 =	vld.idx.msk [tilespmem:v2+s10+$0x0], $0xffff  }
0xdc: {  	v4 =	vld.idx.msk [tilespmem:v4+s10+$0x0], $0xffff;
	_ =	sdelay $0x1  }
0xdd: {  	[tilespmem:v48+s13+$0x0] =	vst.idx.msk $0xffff, v1  }
0xde: {  	[tilespmem:v49+s13+$0x0] =	vst.idx.msk $0xffff, v3  }
0xdf: {  	[tilespmem:v50+s13+$0x0] =	vst.idx.msk $0xffff, v2  }
0xe0: {  	[tilespmem:v51+s13+$0x0] =	vst.idx.msk $0xffff, v4  }
0xe1: {  	v1 =	vld [tilespmem:$0xD0];
	_ =	sdelay $0x1  }
0xe2: {  	v2 =	vld [tilespmem:$0x2D0];
	_ =	sdelay $0x2  }
0xe3: {  	v1 =	vshll.u32 v1, $0x7  }
0xe4: {  	v3 =	vor.u32 $0x1, v1  }
0xe5: {  	v2 =	vshll.u32 v2, $0x7  }
0xe6: {  	v4 =	vor.u32 $0x1, v2;
	_ =	sdelay $0x1  }
0xe7: {  	v1 =	vld.idx.msk [tilespmem:v1+s9+$0x0], $0xffff  }
0xe8: {  	v3 =	vld.idx.msk [tilespmem:v3+s9+$0x0], $0xffff  }
0xe9: {  	v2 =	vld.idx.msk [tilespmem:v2+s10+$0x0], $0xffff  }
0xea: {  	v4 =	vld.idx.msk [tilespmem:v4+s10+$0x0], $0xffff;
	_ =	sdelay $0x1  }
0xeb: {  	[tilespmem:v52+s13+$0x0] =	vst.idx.msk $0xffff, v1  }
0xec: {  	[tilespmem:v53+s13+$0x0] =	vst.idx.msk $0xffff, v3  }
0xed: {  	[tilespmem:v54+s13+$0x0] =	vst.idx.msk $0xffff, v2  }
0xee: {  	[tilespmem:v55+s13+$0x0] =	vst.idx.msk $0xffff, v4  }
0xef: {  	v1 =	vld [tilespmem:$0xE0];
	_ =	sdelay $0x1  }
0xf0: {  	v2 =	vld [tilespmem:$0x2E0];
	_ =	sdelay $0x2  }
0xf1: {  	v1 =	vshll.u32 v1, $0x7  }
0xf2: {  	v3 =	vor.u32 $0x1, v1  }
0xf3: {  	v2 =	vshll.u32 v2, $0x7  }
0xf4: {  	v4 =	vor.u32 $0x1, v2;
	_ =	sdelay $0x1  }
0xf5: {  	v1 =	vld.idx.msk [tilespmem:v1+s9+$0x0], $0xffff  }
0xf6: {  	v3 =	vld.idx.msk [tilespmem:v3+s9+$0x0], $0xffff  }
0xf7: {  	v2 =	vld.idx.msk [tilespmem:v2+s10+$0x0], $0xffff  }
0xf8: {  	v4 =	vld.idx.msk [tilespmem:v4+s10+$0x0], $0xffff;
	_ =	sdelay $0x1  }
0xf9: {  	[tilespmem:v56+s13+$0x0] =	vst.idx.msk $0xffff, v1  }
0xfa: {  	[tilespmem:v57+s13+$0x0] =	vst.idx.msk $0xffff, v3  }
0xfb: {  	[tilespmem:v58+s13+$0x0] =	vst.idx.msk $0xffff, v2  }
0xfc: {  	[tilespmem:v59+s13+$0x0] =	vst.idx.msk $0xffff, v4  }
0xfd: {  	v1 =	vld [tilespmem:$0xF0];
	_ =	sdelay $0x1  }
0xfe: {  	v2 =	vld [tilespmem:$0x2F0];
	_ =	sdelay $0x2  }
0xff: {  	v1 =	vshll.u32 v1, $0x7  }
0x100: {  	v3 =	vor.u32 $0x1, v1  }
0x101: {  	v2 =	vshll.u32 v2, $0x7  }
0x102: {  	v4 =	vor.u32 $0x1, v2;
	_ =	sdelay $0x1  }
0x103: {  	v1 =	vld.idx.msk [tilespmem:v1+s9+$0x0], $0xffff  }
0x104: {  	v3 =	vld.idx.msk [tilespmem:v3+s9+$0x0], $0xffff  }
0x105: {  	v2 =	vld.idx.msk [tilespmem:v2+s10+$0x0], $0xffff  }
0x106: {  	v4 =	vld.idx.msk [tilespmem:v4+s10+$0x0], $0xffff;
	_ =	sdelay $0x1  }
0x107: {  	[tilespmem:v60+s13+$0x0] =	vst.idx.msk $0xffff, v1  }
0x108: {  	[tilespmem:v61+s13+$0x0] =	vst.idx.msk $0xffff, v3  }
0x109: {  	[tilespmem:v62+s13+$0x0] =	vst.idx.msk $0xffff, v2  }
0x10a: {  	[tilespmem:v63+s13+$0x0] =	vst.idx.msk $0xffff, v4  }
0x10b: {  	v1 =	vld [tilespmem:$0x100];
	_ =	sdelay $0x1  }
0x10c: {  	v2 =	vld [tilespmem:$0x300];
	_ =	sdelay $0x2  }
0x10d: {  	v1 =	vshll.u32 v1, $0x7  }
0x10e: {  	v3 =	vor.u32 $0x1, v1  }
0x10f: {  	v2 =	vshll.u32 v2, $0x7  }
0x110: {  	v4 =	vor.u32 $0x1, v2;
	_ =	sdelay $0x1  }
0x111: {  	v5 =	vor.u32 $0x400, v0;
	v1 =	vld.idx.msk [tilespmem:v1+s9+$0x0], $0xffff  }
0x112: {  	v6 =	vor.u32 $0x401, v0;
	v3 =	vld.idx.msk [tilespmem:v3+s9+$0x0], $0xffff  }
0x113: {  	v7 =	vor.u32 $0x402, v0;
	v2 =	vld.idx.msk [tilespmem:v2+s10+$0x0], $0xffff  }
0x114: {  	v8 =	vor.u32 $0x403, v0;
	v4 =	vld.idx.msk [tilespmem:v4+s10+$0x0], $0xffff;
	_ =	sdelay $0x1  }
0x115: {  	[tilespmem:v5+s13+$0x0] =	vst.idx.msk $0xffff, v1  }
0x116: {  	[tilespmem:v6+s13+$0x0] =	vst.idx.msk $0xffff, v3  }
0x117: {  	[tilespmem:v7+s13+$0x0] =	vst.idx.msk $0xffff, v2  }
0x118: {  	[tilespmem:v8+s13+$0x0] =	vst.idx.msk $0xffff, v4  }
0x119: {  	v1 =	vld [tilespmem:$0x110];
	_ =	sdelay $0x1  }
0x11a: {  	v2 =	vld [tilespmem:$0x310];
	_ =	sdelay $0x2  }
0x11b: {  	v1 =	vshll.u32 v1, $0x7  }
0x11c: {  	v3 =	vor.u32 $0x1, v1  }
0x11d: {  	v2 =	vshll.u32 v2, $0x7  }
0x11e: {  	v4 =	vor.u32 $0x1, v2;
	_ =	sdelay $0x1  }
0x11f: {  	v5 =	vor.u32 $0x440, v0;
	v1 =	vld.idx.msk [tilespmem:v1+s9+$0x0], $0xffff  }
0x120: {  	v6 =	vor.u32 $0x441, v0;
	v3 =	vld.idx.msk [tilespmem:v3+s9+$0x0], $0xffff  }
0x121: {  	v7 =	vor.u32 $0x442, v0;
	v2 =	vld.idx.msk [tilespmem:v2+s10+$0x0], $0xffff  }
0x122: {  	v8 =	vor.u32 $0x443, v0;
	v4 =	vld.idx.msk [tilespmem:v4+s10+$0x0], $0xffff;
	_ =	sdelay $0x1  }
0x123: {  	[tilespmem:v5+s13+$0x0] =	vst.idx.msk $0xffff, v1  }
0x124: {  	[tilespmem:v6+s13+$0x0] =	vst.idx.msk $0xffff, v3  }
0x125: {  	[tilespmem:v7+s13+$0x0] =	vst.idx.msk $0xffff, v2  }
0x126: {  	[tilespmem:v8+s13+$0x0] =	vst.idx.msk $0xffff, v4  }
0x127: {  	v1 =	vld [tilespmem:$0x120];
	_ =	sdelay $0x1  }
0x128: {  	v2 =	vld [tilespmem:$0x320];
	_ =	sdelay $0x2  }
0x129: {  	v1 =	vshll.u32 v1, $0x7  }
0x12a: {  	v3 =	vor.u32 $0x1, v1  }
0x12b: {  	v2 =	vshll.u32 v2, $0x7  }
0x12c: {  	v4 =	vor.u32 $0x1, v2;
	_ =	sdelay $0x1  }
0x12d: {  	v5 =	vor.u32 $0x480, v0;
	v1 =	vld.idx.msk [tilespmem:v1+s9+$0x0], $0xffff  }
0x12e: {  	v6 =	vor.u32 $0x481, v0;
	v3 =	vld.idx.msk [tilespmem:v3+s9+$0x0], $0xffff  }
0x12f: {  	v7 =	vor.u32 $0x482, v0;
	v2 =	vld.idx.msk [tilespmem:v2+s10+$0x0], $0xffff  }
0x130: {  	v8 =	vor.u32 $0x483, v0;
	v4 =	vld.idx.msk [tilespmem:v4+s10+$0x0], $0xffff;
	_ =	sdelay $0x1  }
0x131: {  	[tilespmem:v5+s13+$0x0] =	vst.idx.msk $0xffff, v1  }
0x132: {  	[tilespmem:v6+s13+$0x0] =	vst.idx.msk $0xffff, v3  }
0x133: {  	[tilespmem:v7+s13+$0x0] =	vst.idx.msk $0xffff, v2  }
0x134: {  	[tilespmem:v8+s13+$0x0] =	vst.idx.msk $0xffff, v4  }
0x135: {  	v1 =	vld [tilespmem:$0x130];
	_ =	sdelay $0x1  }
0x136: {  	v2 =	vld [tilespmem:$0x330];
	_ =	sdelay $0x2  }
0x137: {  	v1 =	vshll.u32 v1, $0x7  }
0x138: {  	v3 =	vor.u32 $0x1, v1  }
0x139: {  	v2 =	vshll.u32 v2, $0x7  }
0x13a: {  	v4 =	vor.u32 $0x1, v2;
	_ =	sdelay $0x1  }
0x13b: {  	v5 =	vor.u32 $0x4C0, v0;
	v1 =	vld.idx.msk [tilespmem:v1+s9+$0x0], $0xffff  }
0x13c: {  	v6 =	vor.u32 $0x4C1, v0;
	v3 =	vld.idx.msk [tilespmem:v3+s9+$0x0], $0xffff  }
0x13d: {  	v7 =	vor.u32 $0x4C2, v0;
	v2 =	vld.idx.msk [tilespmem:v2+s10+$0x0], $0xffff  }
0x13e: {  	v8 =	vor.u32 $0x4C3, v0;
	v4 =	vld.idx.msk [tilespmem:v4+s10+$0x0], $0xffff;
	_ =	sdelay $0x1  }
0x13f: {  	[tilespmem:v5+s13+$0x0] =	vst.idx.msk $0xffff, v1  }
0x140: {  	[tilespmem:v6+s13+$0x0] =	vst.idx.msk $0xffff, v3  }
0x141: {  	[tilespmem:v7+s13+$0x0] =	vst.idx.msk $0xffff, v2  }
0x142: {  	[tilespmem:v8+s13+$0x0] =	vst.idx.msk $0xffff, v4  }
0x143: {  	v1 =	vld [tilespmem:$0x140];
	_ =	sdelay $0x1  }
0x144: {  	v2 =	vld [tilespmem:$0x340];
	_ =	sdelay $0x2  }
0x145: {  	v1 =	vshll.u32 v1, $0x7  }
0x146: {  	v3 =	vor.u32 $0x1, v1  }
0x147: {  	v2 =	vshll.u32 v2, $0x7  }
0x148: {  	v4 =	vor.u32 $0x1, v2;
	_ =	sdelay $0x1  }
0x149: {  	v5 =	vor.u32 $0x500, v0;
	v1 =	vld.idx.msk [tilespmem:v1+s9+$0x0], $0xffff  }
0x14a: {  	v6 =	vor.u32 $0x501, v0;
	v3 =	vld.idx.msk [tilespmem:v3+s9+$0x0], $0xffff  }
0x14b: {  	v7 =	vor.u32 $0x502, v0;
	v2 =	vld.idx.msk [tilespmem:v2+s10+$0x0], $0xffff  }
0x14c: {  	v8 =	vor.u32 $0x503, v0;
	v4 =	vld.idx.msk [tilespmem:v4+s10+$0x0], $0xffff;
	_ =	sdelay $0x1  }
0x14d: {  	[tilespmem:v5+s13+$0x0] =	vst.idx.msk $0xffff, v1  }
0x14e: {  	[tilespmem:v6+s13+$0x0] =	vst.idx.msk $0xffff, v3  }
0x14f: {  	[tilespmem:v7+s13+$0x0] =	vst.idx.msk $0xffff, v2  }
0x150: {  	[tilespmem:v8+s13+$0x0] =	vst.idx.msk $0xffff, v4  }
0x151: {  	v1 =	vld [tilespmem:$0x150];
	_ =	sdelay $0x1  }
0x152: {  	v2 =	vld [tilespmem:$0x350];
	_ =	sdelay $0x2  }
0x153: {  	v1 =	vshll.u32 v1, $0x7  }
0x154: {  	v3 =	vor.u32 $0x1, v1  }
0x155: {  	v2 =	vshll.u32 v2, $0x7  }
0x156: {  	v4 =	vor.u32 $0x1, v2;
	_ =	sdelay $0x1  }
0x157: {  	v5 =	vor.u32 $0x540, v0;
	v1 =	vld.idx.msk [tilespmem:v1+s9+$0x0], $0xffff  }
0x158: {  	v6 =	vor.u32 $0x541, v0;
	v3 =	vld.idx.msk [tilespmem:v3+s9+$0x0], $0xffff  }
0x159: {  	v7 =	vor.u32 $0x542, v0;
	v2 =	vld.idx.msk [tilespmem:v2+s10+$0x0], $0xffff  }
0x15a: {  	v8 =	vor.u32 $0x543, v0;
	v4 =	vld.idx.msk [tilespmem:v4+s10+$0x0], $0xffff;
	_ =	sdelay $0x1  }
0x15b: {  	[tilespmem:v5+s13+$0x0] =	vst.idx.msk $0xffff, v1  }
0x15c: {  	[tilespmem:v6+s13+$0x0] =	vst.idx.msk $0xffff, v3  }
0x15d: {  	[tilespmem:v7+s13+$0x0] =	vst.idx.msk $0xffff, v2  }
0x15e: {  	[tilespmem:v8+s13+$0x0] =	vst.idx.msk $0xffff, v4  }
0x15f: {  	v1 =	vld [tilespmem:$0x160];
	_ =	sdelay $0x1  }
0x160: {  	v2 =	vld [tilespmem:$0x360];
	_ =	sdelay $0x2  }
0x161: {  	v1 =	vshll.u32 v1, $0x7  }
0x162: {  	v3 =	vor.u32 $0x1, v1  }
0x163: {  	v2 =	vshll.u32 v2, $0x7  }
0x164: {  	v4 =	vor.u32 $0x1, v2;
	_ =	sdelay $0x1  }
0x165: {  	v5 =	vor.u32 $0x580, v0;
	v1 =	vld.idx.msk [tilespmem:v1+s9+$0x0], $0xffff  }
0x166: {  	v6 =	vor.u32 $0x581, v0;
	v3 =	vld.idx.msk [tilespmem:v3+s9+$0x0], $0xffff  }
0x167: {  	v7 =	vor.u32 $0x582, v0;
	v2 =	vld.idx.msk [tilespmem:v2+s10+$0x0], $0xffff  }
0x168: {  	v8 =	vor.u32 $0x583, v0;
	v4 =	vld.idx.msk [tilespmem:v4+s10+$0x0], $0xffff;
	_ =	sdelay $0x1  }
0x169: {  	[tilespmem:v5+s13+$0x0] =	vst.idx.msk $0xffff, v1  }
0x16a: {  	[tilespmem:v6+s13+$0x0] =	vst.idx.msk $0xffff, v3  }
0x16b: {  	[tilespmem:v7+s13+$0x0] =	vst.idx.msk $0xffff, v2  }
0x16c: {  	[tilespmem:v8+s13+$0x0] =	vst.idx.msk $0xffff, v4  }
0x16d: {  	v1 =	vld [tilespmem:$0x170];
	_ =	sdelay $0x1  }
0x16e: {  	v2 =	vld [tilespmem:$0x370];
	_ =	sdelay $0x2  }
0x16f: {  	v1 =	vshll.u32 v1, $0x7  }
0x170: {  	v3 =	vor.u32 $0x1, v1  }
0x171: {  	v2 =	vshll.u32 v2, $0x7  }
0x172: {  	v4 =	vor.u32 $0x1, v2;
	_ =	sdelay $0x1  }
0x173: {  	v5 =	vor.u32 $0x5C0, v0;
	v1 =	vld.idx.msk [tilespmem:v1+s9+$0x0], $0xffff  }
0x174: {  	v6 =	vor.u32 $0x5C1, v0;
	v3 =	vld.idx.msk [tilespmem:v3+s9+$0x0], $0xffff  }
0x175: {  	v7 =	vor.u32 $0x5C2, v0;
	v2 =	vld.idx.msk [tilespmem:v2+s10+$0x0], $0xffff  }
0x176: {  	v8 =	vor.u32 $0x5C3, v0;
	v4 =	vld.idx.msk [tilespmem:v4+s10+$0x0], $0xffff;
	_ =	sdelay $0x1  }
0x177: {  	[tilespmem:v5+s13+$0x0] =	vst.idx.msk $0xffff, v1  }
0x178: {  	[tilespmem:v6+s13+$0x0] =	vst.idx.msk $0xffff, v3  }
0x179: {  	[tilespmem:v7+s13+$0x0] =	vst.idx.msk $0xffff, v2  }
0x17a: {  	[tilespmem:v8+s13+$0x0] =	vst.idx.msk $0xffff, v4  }
0x17b: {  	v1 =	vld [tilespmem:$0x180];
	_ =	sdelay $0x1  }
0x17c: {  	v2 =	vld [tilespmem:$0x380];
	_ =	sdelay $0x2  }
0x17d: {  	v1 =	vshll.u32 v1, $0x7  }
0x17e: {  	v3 =	vor.u32 $0x1, v1  }
0x17f: {  	v2 =	vshll.u32 v2, $0x7  }
0x180: {  	v4 =	vor.u32 $0x1, v2;
	_ =	sdelay $0x1  }
0x181: {  	v5 =	vor.u32 $0x600, v0;
	v1 =	vld.idx.msk [tilespmem:v1+s9+$0x0], $0xffff  }
0x182: {  	v6 =	vor.u32 $0x601, v0;
	v3 =	vld.idx.msk [tilespmem:v3+s9+$0x0], $0xffff  }
0x183: {  	v7 =	vor.u32 $0x602, v0;
	v2 =	vld.idx.msk [tilespmem:v2+s10+$0x0], $0xffff  }
0x184: {  	v8 =	vor.u32 $0x603, v0;
	v4 =	vld.idx.msk [tilespmem:v4+s10+$0x0], $0xffff;
	_ =	sdelay $0x1  }
0x185: {  	[tilespmem:v5+s13+$0x0] =	vst.idx.msk $0xffff, v1  }
0x186: {  	[tilespmem:v6+s13+$0x0] =	vst.idx.msk $0xffff, v3  }
0x187: {  	[tilespmem:v7+s13+$0x0] =	vst.idx.msk $0xffff, v2  }
0x188: {  	[tilespmem:v8+s13+$0x0] =	vst.idx.msk $0xffff, v4  }
0x189: {  	v1 =	vld [tilespmem:$0x190];
	_ =	sdelay $0x1  }
0x18a: {  	v2 =	vld [tilespmem:$0x390];
	_ =	sdelay $0x2  }
0x18b: {  	v1 =	vshll.u32 v1, $0x7  }
0x18c: {  	v3 =	vor.u32 $0x1, v1  }
0x18d: {  	v2 =	vshll.u32 v2, $0x7  }
0x18e: {  	v4 =	vor.u32 $0x1, v2;
	_ =	sdelay $0x1  }
0x18f: {  	v5 =	vor.u32 $0x640, v0;
	v1 =	vld.idx.msk [tilespmem:v1+s9+$0x0], $0xffff  }
0x190: {  	v6 =	vor.u32 $0x641, v0;
	v3 =	vld.idx.msk [tilespmem:v3+s9+$0x0], $0xffff  }
0x191: {  	v7 =	vor.u32 $0x642, v0;
	v2 =	vld.idx.msk [tilespmem:v2+s10+$0x0], $0xffff  }
0x192: {  	v8 =	vor.u32 $0x643, v0;
	v4 =	vld.idx.msk [tilespmem:v4+s10+$0x0], $0xffff;
	_ =	sdelay $0x1  }
0x193: {  	[tilespmem:v5+s13+$0x0] =	vst.idx.msk $0xffff, v1  }
0x194: {  	[tilespmem:v6+s13+$0x0] =	vst.idx.msk $0xffff, v3  }
0x195: {  	[tilespmem:v7+s13+$0x0] =	vst.idx.msk $0xffff, v2  }
0x196: {  	[tilespmem:v8+s13+$0x0] =	vst.idx.msk $0xffff, v4  }
0x197: {  	v1 =	vld [tilespmem:$0x1A0];
	_ =	sdelay $0x1  }
0x198: {  	v2 =	vld [tilespmem:$0x3A0];
	_ =	sdelay $0x2  }
0x199: {  	v1 =	vshll.u32 v1, $0x7  }
0x19a: {  	v3 =	vor.u32 $0x1, v1  }
0x19b: {  	v2 =	vshll.u32 v2, $0x7  }
0x19c: {  	v4 =	vor.u32 $0x1, v2;
	_ =	sdelay $0x1  }
0x19d: {  	v5 =	vor.u32 $0x680, v0;
	v1 =	vld.idx.msk [tilespmem:v1+s9+$0x0], $0xffff  }
0x19e: {  	v6 =	vor.u32 $0x681, v0;
	v3 =	vld.idx.msk [tilespmem:v3+s9+$0x0], $0xffff  }
0x19f: {  	v7 =	vor.u32 $0x682, v0;
	v2 =	vld.idx.msk [tilespmem:v2+s10+$0x0], $0xffff  }
0x1a0: {  	v8 =	vor.u32 $0x683, v0;
	v4 =	vld.idx.msk [tilespmem:v4+s10+$0x0], $0xffff;
	_ =	sdelay $0x1  }
0x1a1: {  	[tilespmem:v5+s13+$0x0] =	vst.idx.msk $0xffff, v1  }
0x1a2: {  	[tilespmem:v6+s13+$0x0] =	vst.idx.msk $0xffff, v3  }
0x1a3: {  	[tilespmem:v7+s13+$0x0] =	vst.idx.msk $0xffff, v2  }
0x1a4: {  	[tilespmem:v8+s13+$0x0] =	vst.idx.msk $0xffff, v4  }
0x1a5: {  	v1 =	vld [tilespmem:$0x1B0];
	_ =	sdelay $0x1  }
0x1a6: {  	v2 =	vld [tilespmem:$0x3B0];
	_ =	sdelay $0x2  }
0x1a7: {  	v1 =	vshll.u32 v1, $0x7  }
0x1a8: {  	v3 =	vor.u32 $0x1, v1  }
0x1a9: {  	v2 =	vshll.u32 v2, $0x7  }
0x1aa: {  	v4 =	vor.u32 $0x1, v2;
	_ =	sdelay $0x1  }
0x1ab: {  	v5 =	vor.u32 $0x6C0, v0;
	v1 =	vld.idx.msk [tilespmem:v1+s9+$0x0], $0xffff  }
0x1ac: {  	v6 =	vor.u32 $0x6C1, v0;
	v3 =	vld.idx.msk [tilespmem:v3+s9+$0x0], $0xffff  }
0x1ad: {  	v7 =	vor.u32 $0x6C2, v0;
	v2 =	vld.idx.msk [tilespmem:v2+s10+$0x0], $0xffff  }
0x1ae: {  	v8 =	vor.u32 $0x6C3, v0;
	v4 =	vld.idx.msk [tilespmem:v4+s10+$0x0], $0xffff;
	_ =	sdelay $0x1  }
0x1af: {  	[tilespmem:v5+s13+$0x0] =	vst.idx.msk $0xffff, v1  }
0x1b0: {  	[tilespmem:v6+s13+$0x0] =	vst.idx.msk $0xffff, v3  }
0x1b1: {  	[tilespmem:v7+s13+$0x0] =	vst.idx.msk $0xffff, v2  }
0x1b2: {  	[tilespmem:v8+s13+$0x0] =	vst.idx.msk $0xffff, v4  }
0x1b3: {  	v1 =	vld [tilespmem:$0x1C0];
	_ =	sdelay $0x1  }
0x1b4: {  	v2 =	vld [tilespmem:$0x3C0];
	_ =	sdelay $0x2  }
0x1b5: {  	v1 =	vshll.u32 v1, $0x7  }
0x1b6: {  	v3 =	vor.u32 $0x1, v1  }
0x1b7: {  	v2 =	vshll.u32 v2, $0x7  }
0x1b8: {  	v4 =	vor.u32 $0x1, v2;
	_ =	sdelay $0x1  }
0x1b9: {  	v5 =	vor.u32 $0x700, v0;
	v1 =	vld.idx.msk [tilespmem:v1+s9+$0x0], $0xffff  }
0x1ba: {  	v6 =	vor.u32 $0x701, v0;
	v3 =	vld.idx.msk [tilespmem:v3+s9+$0x0], $0xffff  }
0x1bb: {  	v7 =	vor.u32 $0x702, v0;
	v2 =	vld.idx.msk [tilespmem:v2+s10+$0x0], $0xffff  }
0x1bc: {  	v8 =	vor.u32 $0x703, v0;
	v4 =	vld.idx.msk [tilespmem:v4+s10+$0x0], $0xffff;
	_ =	sdelay $0x1  }
0x1bd: {  	[tilespmem:v5+s13+$0x0] =	vst.idx.msk $0xffff, v1  }
0x1be: {  	[tilespmem:v6+s13+$0x0] =	vst.idx.msk $0xffff, v3  }
0x1bf: {  	[tilespmem:v7+s13+$0x0] =	vst.idx.msk $0xffff, v2  }
0x1c0: {  	[tilespmem:v8+s13+$0x0] =	vst.idx.msk $0xffff, v4  }
0x1c1: {  	v1 =	vld [tilespmem:$0x1D0];
	_ =	sdelay $0x1  }
0x1c2: {  	v2 =	vld [tilespmem:$0x3D0];
	_ =	sdelay $0x2  }
0x1c3: {  	v1 =	vshll.u32 v1, $0x7  }
0x1c4: {  	v3 =	vor.u32 $0x1, v1  }
0x1c5: {  	v2 =	vshll.u32 v2, $0x7  }
0x1c6: {  	v4 =	vor.u32 $0x1, v2;
	_ =	sdelay $0x1  }
0x1c7: {  	v5 =	vor.u32 $0x740, v0;
	v1 =	vld.idx.msk [tilespmem:v1+s9+$0x0], $0xffff  }
0x1c8: {  	v6 =	vor.u32 $0x741, v0;
	v3 =	vld.idx.msk [tilespmem:v3+s9+$0x0], $0xffff  }
0x1c9: {  	v7 =	vor.u32 $0x742, v0;
	v2 =	vld.idx.msk [tilespmem:v2+s10+$0x0], $0xffff  }
0x1ca: {  	v8 =	vor.u32 $0x743, v0;
	v4 =	vld.idx.msk [tilespmem:v4+s10+$0x0], $0xffff;
	_ =	sdelay $0x1  }
0x1cb: {  	[tilespmem:v5+s13+$0x0] =	vst.idx.msk $0xffff, v1  }
0x1cc: {  	[tilespmem:v6+s13+$0x0] =	vst.idx.msk $0xffff, v3  }
0x1cd: {  	[tilespmem:v7+s13+$0x0] =	vst.idx.msk $0xffff, v2  }
0x1ce: {  	[tilespmem:v8+s13+$0x0] =	vst.idx.msk $0xffff, v4  }
0x1cf: {  	v1 =	vld [tilespmem:$0x1E0];
	_ =	sdelay $0x1  }
0x1d0: {  	v2 =	vld [tilespmem:$0x3E0];
	_ =	sdelay $0x2  }
0x1d1: {  	v1 =	vshll.u32 v1, $0x7  }
0x1d2: {  	v3 =	vor.u32 $0x1, v1  }
0x1d3: {  	v2 =	vshll.u32 v2, $0x7  }
0x1d4: {  	v4 =	vor.u32 $0x1, v2;
	_ =	sdelay $0x1  }
0x1d5: {  	v5 =	vor.u32 $0x780, v0;
	v1 =	vld.idx.msk [tilespmem:v1+s9+$0x0], $0xffff  }
0x1d6: {  	v6 =	vor.u32 $0x781, v0;
	v3 =	vld.idx.msk [tilespmem:v3+s9+$0x0], $0xffff  }
0x1d7: {  	v7 =	vor.u32 $0x782, v0;
	v2 =	vld.idx.msk [tilespmem:v2+s10+$0x0], $0xffff  }
0x1d8: {  	v8 =	vor.u32 $0x783, v0;
	v4 =	vld.idx.msk [tilespmem:v4+s10+$0x0], $0xffff;
	_ =	sdelay $0x1  }
0x1d9: {  	[tilespmem:v5+s13+$0x0] =	vst.idx.msk $0xffff, v1  }
0x1da: {  	[tilespmem:v6+s13+$0x0] =	vst.idx.msk $0xffff, v3  }
0x1db: {  	[tilespmem:v7+s13+$0x0] =	vst.idx.msk $0xffff, v2  }
0x1dc: {  	[tilespmem:v8+s13+$0x0] =	vst.idx.msk $0xffff, v4  }
0x1dd: {  	v1 =	vld [tilespmem:$0x1F0];
	_ =	sdelay $0x1  }
0x1de: {  	v2 =	vld [tilespmem:$0x3F0];
	_ =	sdelay $0x2  }
0x1df: {  	v1 =	vshll.u32 v1, $0x7  }
0x1e0: {  	v3 =	vor.u32 $0x1, v1  }
0x1e1: {  	v2 =	vshll.u32 v2, $0x7  }
0x1e2: {  	v4 =	vor.u32 $0x1, v2;
	_ =	sdelay $0x1  }
0x1e3: {  	v5 =	vor.u32 $0x7C0, v0;
	v1 =	vld.idx.msk [tilespmem:v1+s9+$0x0], $0xffff  }
0x1e4: {  	v6 =	vor.u32 $0x7C1, v0;
	v3 =	vld.idx.msk [tilespmem:v3+s9+$0x0], $0xffff  }
0x1e5: {  	v7 =	vor.u32 $0x7C2, v0;
	v2 =	vld.idx.msk [tilespmem:v2+s10+$0x0], $0xffff  }
0x1e6: {  	v8 =	vor.u32 $0x7C3, v0;
	v4 =	vld.idx.msk [tilespmem:v4+s10+$0x0], $0xffff;
	_ =	sdelay $0x1  }
0x1e7: {  	[tilespmem:v5+s13+$0x0] =	vst.idx.msk $0xffff, v1  }
0x1e8: {  	[tilespmem:v6+s13+$0x0] =	vst.idx.msk $0xffff, v3  }
0x1e9: {  	p0 =	sne.s32 s8, $0x1;
	[tilespmem:v7+s13+$0x0] =	vst.idx.msk $0xffff, v2  }
.Ltmp0:
0x1ea: {  	[tilespmem:v8+s13+$0x0] =	vst.idx.msk $0xffff, v4;
	(pc) =	sbr.rel @p0 .LBB2_1-.Ltmp0, $4  }
0x1eb: {  	[hbm4b:s7+s1] =	stream.linear.scatter [tilespmem:s13], [sflag:$0x2], $0x800, $0x38;
	[tilespmem:$0x1000] =	vst v63  }
0x1ec: {  	_ =	swait.ge [sflag:s14], $0x800  }
0x1ed: {  	[sflag:s14] =	ssyncset.done $0x0  }
0x1ee: {  	s8 =	sadd.s32 $0xFFFFFFFF, s8;
	[sflag:s14] =	ssyncadd.s32 $0xFFFFF800  }
0x1ef: {  	_ =	sfence.sel $0x180000  }
0x1f0: {  	[bflag:$0x0] =	sbarrier.arrive $0xFFFF  }
0x1f1: {  	p0 =	sne.s32 s2, $0x0;
	_ =	strace $0x90000047  }
0x1f2: {  	s0 =	sadd.s32 @!p0 $0x100000, s0;
	[bflag:$0x2] =	sbarrier.arrive $0xFFFF  }
0x1f3: {  	[sflag:s0] =	ssyncadd.tile.s32 @!p0 $0x1;
	_ =	shalt  }
.Lfunc_end2:
_tile_overlayer_lowered:
.L_overlay_start_2:
0x1f4: {  	(tag) =	ssettag $0x2  }
0x1f5: {  	s0 =	rddreg [dreg:$0x0];
	s2 =	stileid.u32  }
0x1f6: {  	s1 =	rddreg [dreg:$0x1];
	p0 =	sne.s32 s2, $0x0  }
0x1f7: {  	s3 =	rddreg [dreg:$0x2];
	[bflag:$0x3] =	sbarrier.arrive $0xFFFF;
	s2 =	simm.s32 @!p0 $0x1C02  }
0x1f8: {  	[timem:s3], [sflag:s2] =	dma.local @!p0 [hbm:s0], s1  }
0x1f9: {  	s0 =	simm.s32 @!p0 $0x2  }
0x1fa: {  	_ =	swait.ge @!p0 [sflag:s0], s1  }
0x1fb: {  	s1 =	ssub.s32 @!p0 $0x0, s1;
	[sflag:s0] =	ssyncset.done @!p0 $0x0  }
0x1fc: {  	[sflag:s0] =	ssyncadd.s32 @!p0 s1  }
0x1fd: {  	[bflag:$0x3] =	sbarrier.arrive $0xFFFF  }
0x1fe: {  	_ =	shalt  }

</sc_bundles>
